<compile_context>
chip_gen: v7x
topology: tpu7x:2x2x1
jax: 0.10.2.dev20260603
libtpu: 0.0.44.dev20260713+nightly
codegen_flags: <defaults>
</compile_context>

<pallas_src>
import functools

import jax
import jax.numpy as jnp
from jax import lax
from jax.experimental import pallas as pl
from jax.experimental.pallas import tpu as pltpu
from jax.experimental.pallas import tpu_sc as plsc

N_NODES = 10000
N_EDGES = 320000
D = 128

NC = 2
NS = 16
NW = NC * NS

N_PAD = 10240
ROWS_PER_TILE = N_PAD // NS
K = 80
E_PAD = 327680
EC = E_PAD // NW // K
B_PAD = 10240
BW = B_PAD // NW
BQ = BW // K

_mesh = plsc.VectorSubcoreMesh(core_axis_name="c", subcore_axis_name="s")


@functools.partial(
    pl.kernel,
    out_type=jax.ShapeDtypeStruct((NC, N_PAD, D), jnp.float32),
    mesh=_mesh,
    scratch_types=[
        pltpu.VMEM((EC // 2, K), jnp.int32),
        pltpu.VMEM((EC // 2, K), jnp.int32),
        pltpu.VMEM((K, D), jnp.float32),
        pltpu.VMEM((K, D), jnp.float32),
        pltpu.VMEM_SHARED((N_PAD, D), jnp.float32),
        pltpu.SemaphoreType.DMA,
    ],
)
def _edge_agg(emb_hbm, src_hbm, dst_hbm, acc_out,
              src_v, dst_v, rows_v, rows1_v, acc_sh, sem0):
    c = lax.axis_index("c")
    s = lax.axis_index("s")
    zero16 = jnp.zeros((16,), jnp.float32)

    def _zero_rows(i, _):
        for q in range(D // 16):
            rows_v[i, pl.ds(q * 16, 16)] = zero16
        return 0

    lax.fori_loop(0, K, _zero_rows, 0)
    my_base = s * ROWS_PER_TILE
    for q in range(ROWS_PER_TILE // K):
        pltpu.sync_copy(rows_v, acc_sh.at[pl.ds(my_base + q * K, K)])
    plsc.subcore_barrier()

    CB = EC // 2
    for h in range(2):
        pltpu.sync_copy(src_hbm.at[c, s, pl.ds(h * CB, CB)], src_v)
        pltpu.sync_copy(dst_hbm.at[c, s, pl.ds(h * CB, CB)], dst_v)
        pltpu.async_copy(emb_hbm.at[src_v.at[0]], rows_v, sem0)
        last = CB - 1

        def _pair(jj, _):
            j = 2 * jj
            pltpu.make_async_copy(emb_hbm.at[src_v.at[0]], rows_v, sem0).wait()
            pltpu.async_copy(emb_hbm.at[src_v.at[j + 1]], rows1_v, sem0)
            pltpu.sync_copy(rows_v, acc_sh.at[dst_v.at[j]], add=True)
            pltpu.make_async_copy(emb_hbm.at[src_v.at[0]], rows1_v, sem0).wait()
            pltpu.async_copy(emb_hbm.at[src_v.at[jnp.minimum(j + 2, last)]],
                             rows_v, sem0)
            pltpu.sync_copy(rows1_v, acc_sh.at[dst_v.at[j + 1]], add=True)
            return 0

        lax.fori_loop(0, CB // 2, _pair, 0)
        pltpu.make_async_copy(emb_hbm.at[src_v.at[0]], rows_v, sem0).wait()
    plsc.subcore_barrier()

    pltpu.sync_copy(acc_sh.at[pl.ds(my_base, ROWS_PER_TILE)],
                    acc_out.at[c, pl.ds(my_base, ROWS_PER_TILE)])


@functools.partial(
    pl.kernel,
    out_type=jax.ShapeDtypeStruct((NC, N_PAD, D), jnp.float32),
    mesh=_mesh,
    scratch_types=[
        pltpu.VMEM((EC, K), jnp.int32),
        pltpu.VMEM((K, D), jnp.float32),
        pltpu.VMEM_SHARED((N_PAD, D), jnp.float32),
    ],
)
def _degrees(dst_hbm, deg_out, dst_v, ones_v, deg_sh):
    c = lax.axis_index("c")
    s = lax.axis_index("s")
    zero16 = jnp.zeros((16,), jnp.float32)

    def _fill(val):
        def _f(i, _):
            for q in range(D // 16):
                ones_v[i, pl.ds(q * 16, 16)] = zero16 + val
            return 0
        lax.fori_loop(0, K, _f, 0)

    _fill(0.0)
    my_base = s * ROWS_PER_TILE
    for q in range(ROWS_PER_TILE // K):
        pltpu.sync_copy(ones_v, deg_sh.at[pl.ds(my_base + q * K, K)])
    _fill(1.0)
    plsc.subcore_barrier()

    pltpu.sync_copy(dst_hbm.at[c, s], dst_v)

    def _chunk(j, _):
        pltpu.sync_copy(ones_v, deg_sh.at[dst_v.at[j]], add=True)
        return 0

    lax.fori_loop(0, EC, _chunk, 0)
    plsc.subcore_barrier()

    pltpu.sync_copy(deg_sh.at[pl.ds(my_base, ROWS_PER_TILE)],
                    deg_out.at[c, pl.ds(my_base, ROWS_PER_TILE)])


def _linear_body(emb_ref, acc_ref, deg_ref, wt_ref, out_ref):
    a = acc_ref[0] + acc_ref[1]
    dsum = deg_ref[0] + deg_ref[1]
    deg = jnp.max(dsum, axis=1, keepdims=True)
    r = 1.0 / jnp.maximum(deg, 1.0)
    x1 = emb_ref[...]
    x2 = a * r
    w1 = wt_ref[:D, :]
    w2 = wt_ref[D:, :]
    t = (jnp.dot(x1, w1, preferred_element_type=jnp.float32,
                 precision=lax.Precision.HIGHEST)
         + jnp.dot(x2, w2, preferred_element_type=jnp.float32,
                   precision=lax.Precision.HIGHEST))
    out_ref[...] = jnp.maximum(t, 0.0)


@functools.partial(
    pl.kernel,
    out_type=jax.ShapeDtypeStruct((B_PAD, D), jnp.float32),
    mesh=_mesh,
    scratch_types=[
        pltpu.VMEM((BQ, K), jnp.int32),
        pltpu.VMEM((BW, D), jnp.float32),
    ],
)
def _batch_gather(t_hbm, nid_hbm, out_hbm, idx_v, rows_v):
    c = lax.axis_index("c")
    s = lax.axis_index("s")
    wid = c * NS + s
    pltpu.sync_copy(nid_hbm.at[c, s], idx_v)
    for q in range(BQ):
        pltpu.sync_copy(t_hbm.at[idx_v.at[q]], rows_v.at[pl.ds(q * K, K)])
    pltpu.sync_copy(rows_v, out_hbm.at[pl.ds(wid * BW, BW)])


def kernel(node_ids, edge_index, emb_table, W):
    npad = E_PAD - N_EDGES
    ar = jnp.arange(npad, dtype=edge_index.dtype)
    src = jnp.concatenate(
        [edge_index[0], ar % N_NODES]).reshape(NC, NS, EC, K)
    dst = jnp.concatenate(
        [edge_index[1], N_NODES + ar % (N_PAD - N_NODES)]
    ).reshape(NC, NS, EC, K)
    acc = _edge_agg(emb_table, src, dst)
    deg = _degrees(dst)

    R = 1000
    t = pl.pallas_call(
        _linear_body,
        grid=(N_NODES // R,),
        in_specs=[
            pl.BlockSpec((R, D), lambda i: (i, 0)),
            pl.BlockSpec((NC, R, D), lambda i: (0, i, 0)),
            pl.BlockSpec((NC, R, D), lambda i: (0, i, 0)),
            pl.BlockSpec((2 * D, D), lambda i: (0, 0)),
        ],
        out_specs=pl.BlockSpec((R, D), lambda i: (i, 0)),
        out_shape=jax.ShapeDtypeStruct((N_NODES, D), jnp.float32),
    )(emb_table, acc, deg, W.T)

    nid = jnp.concatenate(
        [node_ids, jnp.zeros((B_PAD - N_NODES,), node_ids.dtype)]
    ).reshape(NC, NS, BQ, K)
    out = _batch_gather(t, nid)
    return out[:N_NODES]

# --- scband reference (transcript-rebuilt; emitter-appended) ---
"""Pipeline reference for scband-node-encoder-73469710565688 (READ-ONLY COPY).

The authoritative reference and input builder live on the scoring server;
editing this copy changes nothing except your own understanding.
"""

import jax, jax.numpy as jnp
import numpy as np

N_NODES = 10000
N_EDGES = 320000
D_FEAT = 128
D_OUT = 128


def setup_inputs(seed: int = 0) -> dict:
    key = jax.random.key(seed)
    k1, k2, k3, k4 = jax.random.split(key, 4)
    node_ids = jax.random.randint(k1, (N_NODES,), 0, N_NODES, dtype=jnp.int64 if jax.config.jax_enable_x64 else jnp.int32)
    edge_index = jax.random.randint(k2, (2, N_EDGES), 0, N_NODES, dtype=jnp.int64 if jax.config.jax_enable_x64 else jnp.int32)
    # learned parameters
    emb_table = jax.random.normal(k3, (N_NODES, D_FEAT), dtype=jnp.float32) * 0.02
    # xavier_uniform for linear_transform [D_OUT, 2*D_FEAT]
    fan_in, fan_out = 2 * D_FEAT, D_OUT
    limit = float(np.sqrt(6.0 / (fan_in + fan_out)))
    W = jax.random.uniform(k4, (D_OUT, 2 * D_FEAT), dtype=jnp.float32, minval=-limit, maxval=limit)
    return {"node_ids": node_ids, "edge_index": edge_index, "emb_table": emb_table, "W": W}


def reference(node_ids, edge_index, emb_table, W):
    n_nodes = emb_table.shape[0]
    src = edge_index[0]
    dst = edge_index[1]
    # aggregator.compute_aggregation: mean of neighbor embeddings per destination node
    msgs = jnp.take(emb_table, src, axis=0)                       # gather  [E, d]
    agg_sum = jax.ops.segment_sum(msgs, dst, num_segments=n_nodes)  # scatter-add [N, d]
    deg = jax.ops.segment_sum(jnp.ones((src.shape[0],), jnp.float32), dst, num_segments=n_nodes)
    agg_mean = agg_sum / jnp.clip(deg, 1.0, None)[:, None]
    # self embeddings for the batch of node_ids
    self_emb = jnp.take(emb_table, node_ids, axis=0)              # gather [B, d]
    agg_batch = jnp.take(agg_mean, node_ids, axis=0)              # gather [B, d]
    combined = jnp.concatenate([self_emb, agg_batch], axis=1)     # [B, 2d]
    embeddings = jax.nn.relu(W @ combined.T)                      # [D_OUT, B]
    return embeddings.T                                           # [B, D_OUT]

if __name__ == "__main__":
    import jax
    _d = setup_inputs()
    print(jax.jit(kernel)(*tuple(_d.values())))

</pallas_src>

<mosaic_0001>
#map = affine_map<(d0, d1) -> (0, 0, 0, 0)>
#map1 = affine_map<(d0, d1) -> (0, 0, 0)>
module attributes {stable_mosaic.version = 14 : i64} {
  func.func @_degrees(%arg0: i32, %arg1: i32, %arg2: memref<2x16x128x80xi32, #tpu.memory_space<hbm>>, %arg3: memref<2x10240x128xf32, #tpu.memory_space<hbm>>, %arg4: memref<128x80xi32, #tpu.memory_space<vmem>>, %arg5: memref<80x128xf32, #tpu.memory_space<vmem>>, %arg6: memref<10240x128xf32, #tpu.memory_space<vmem_shared>>) attributes {dimension_semantics = [#tpu.dimension_semantics<core_parallel>, #tpu.dimension_semantics<subcore_parallel>], iteration_bounds = array<i64: 2, 16>, scalar_prefetch = 0 : i64, scratch_operands = 3 : i64, tpu.core_type = #tpu.core_type<sc_vector_subcore>, window_params = [{transform_indices = #map}, {transform_indices = #map1}]} {
    %broadcast_in_dim3A = arith.constant 0.000000e+00 : f32
    %broadcast_in_dim3A_0 = vector.broadcast %broadcast_in_dim3A : f32 to vector<16xf32>
    %scan3A = arith.constant 0 : i32
    %scan3A_1 = arith.constant 0 : i32
    %scan3A_2 = arith.constant 80 : i32
    %scan3A_3 = arith.addi %scan3A_1, %scan3A_2 : i32
    %scan3A_4 = arith.constant 1 : i32
    %scan3A_5 = scf.for %scan3A_38 = %scan3A_1 to %scan3A_3 step %scan3A_4 iter_args(%scan3A_39 = %scan3A) -> (i32)  : i32 {
      %add3A_40 = arith.constant 0.000000e+00 : f32
      %add3A_41 = vector.broadcast %add3A_40 : f32 to vector<16xf32>
      %add3A_42 = arith.addf %broadcast_in_dim3A_0, %add3A_41 : vector<16xf32>
      %swap3A = arith.index_cast %scan3A_38 : i32 to index
      %swap3A_43 = arith.constant 0 : index
      %swap3A_44 = tpu.vector_load %arg5[%swap3A, %swap3A_43] {strides = array<i32>} : memref<80x128xf32, #tpu.memory_space<vmem>>, vector<1x16xf32>,
      %swap3A_45 = vector.shape_cast %swap3A_44 : vector<1x16xf32> to vector<16xf32>
      %swap3A_46 = vector.shape_cast %add3A_42 : vector<16xf32> to vector<1x16xf32>
      tpu.vector_store %arg5[%swap3A, %swap3A_43], %swap3A_46 {strides = array<i32>} : memref<80x128xf32, #tpu.memory_space<vmem>>, vector<1x16xf32>,
      %add3A_47 = arith.constant 0.000000e+00 : f32
      %add3A_48 = vector.broadcast %add3A_47 : f32 to vector<16xf32>
      %add3A_49 = arith.addf %broadcast_in_dim3A_0, %add3A_48 : vector<16xf32>
      %swap3A_50 = arith.index_cast %scan3A_38 : i32 to index
      %swap3A_51 = arith.constant 16 : index
      %swap3A_52 = tpu.vector_load %arg5[%swap3A_50, %swap3A_51] {strides = array<i32>} : memref<80x128xf32, #tpu.memory_space<vmem>>, vector<1x16xf32>,
      %swap3A_53 = vector.shape_cast %swap3A_52 : vector<1x16xf32> to vector<16xf32>
      %swap3A_54 = vector.shape_cast %add3A_49 : vector<16xf32> to vector<1x16xf32>
      tpu.vector_store %arg5[%swap3A_50, %swap3A_51], %swap3A_54 {strides = array<i32>} : memref<80x128xf32, #tpu.memory_space<vmem>>, vector<1x16xf32>,
      %add3A_55 = arith.constant 0.000000e+00 : f32
      %add3A_56 = vector.broadcast %add3A_55 : f32 to vector<16xf32>
      %add3A_57 = arith.addf %broadcast_in_dim3A_0, %add3A_56 : vector<16xf32>
      %swap3A_58 = arith.index_cast %scan3A_38 : i32 to index
      %swap3A_59 = arith.constant 32 : index
      %swap3A_60 = tpu.vector_load %arg5[%swap3A_58, %swap3A_59] {strides = array<i32>} : memref<80x128xf32, #tpu.memory_space<vmem>>, vector<1x16xf32>,
      %swap3A_61 = vector.shape_cast %swap3A_60 : vector<1x16xf32> to vector<16xf32>
      %swap3A_62 = vector.shape_cast %add3A_57 : vector<16xf32> to vector<1x16xf32>
      tpu.vector_store %arg5[%swap3A_58, %swap3A_59], %swap3A_62 {strides = array<i32>} : memref<80x128xf32, #tpu.memory_space<vmem>>, vector<1x16xf32>,
      %add3A_63 = arith.constant 0.000000e+00 : f32
      %add3A_64 = vector.broadcast %add3A_63 : f32 to vector<16xf32>
      %add3A_65 = arith.addf %broadcast_in_dim3A_0, %add3A_64 : vector<16xf32>
      %swap3A_66 = arith.index_cast %scan3A_38 : i32 to index
      %swap3A_67 = arith.constant 48 : index
      %swap3A_68 = tpu.vector_load %arg5[%swap3A_66, %swap3A_67] {strides = array<i32>} : memref<80x128xf32, #tpu.memory_space<vmem>>, vector<1x16xf32>,
      %swap3A_69 = vector.shape_cast %swap3A_68 : vector<1x16xf32> to vector<16xf32>
      %swap3A_70 = vector.shape_cast %add3A_65 : vector<16xf32> to vector<1x16xf32>
      tpu.vector_store %arg5[%swap3A_66, %swap3A_67], %swap3A_70 {strides = array<i32>} : memref<80x128xf32, #tpu.memory_space<vmem>>, vector<1x16xf32>,
      %add3A_71 = arith.constant 0.000000e+00 : f32
      %add3A_72 = vector.broadcast %add3A_71 : f32 to vector<16xf32>
      %add3A_73 = arith.addf %broadcast_in_dim3A_0, %add3A_72 : vector<16xf32>
      %swap3A_74 = arith.index_cast %scan3A_38 : i32 to index
      %swap3A_75 = arith.constant 64 : index
      %swap3A_76 = tpu.vector_load %arg5[%swap3A_74, %swap3A_75] {strides = array<i32>} : memref<80x128xf32, #tpu.memory_space<vmem>>, vector<1x16xf32>,
      %swap3A_77 = vector.shape_cast %swap3A_76 : vector<1x16xf32> to vector<16xf32>
      %swap3A_78 = vector.shape_cast %add3A_73 : vector<16xf32> to vector<1x16xf32>
      tpu.vector_store %arg5[%swap3A_74, %swap3A_75], %swap3A_78 {strides = array<i32>} : memref<80x128xf32, #tpu.memory_space<vmem>>, vector<1x16xf32>,
      %add3A_79 = arith.constant 0.000000e+00 : f32
      %add3A_80 = vector.broadcast %add3A_79 : f32 to vector<16xf32>
      %add3A_81 = arith.addf %broadcast_in_dim3A_0, %add3A_80 : vector<16xf32>
      %swap3A_82 = arith.index_cast %scan3A_38 : i32 to index
      %swap3A_83 = arith.constant 80 : index
      %swap3A_84 = tpu.vector_load %arg5[%swap3A_82, %swap3A_83] {strides = array<i32>} : memref<80x128xf32, #tpu.memory_space<vmem>>, vector<1x16xf32>,
      %swap3A_85 = vector.shape_cast %swap3A_84 : vector<1x16xf32> to vector<16xf32>
      %swap3A_86 = vector.shape_cast %add3A_81 : vector<16xf32> to vector<1x16xf32>
      tpu.vector_store %arg5[%swap3A_82, %swap3A_83], %swap3A_86 {strides = array<i32>} : memref<80x128xf32, #tpu.memory_space<vmem>>, vector<1x16xf32>,
      %add3A_87 = arith.constant 0.000000e+00 : f32
      %add3A_88 = vector.broadcast %add3A_87 : f32 to vector<16xf32>
      %add3A_89 = arith.addf %broadcast_in_dim3A_0, %add3A_88 : vector<16xf32>
      %swap3A_90 = arith.index_cast %scan3A_38 : i32 to index
      %swap3A_91 = arith.constant 96 : index
      %swap3A_92 = tpu.vector_load %arg5[%swap3A_90, %swap3A_91] {strides = array<i32>} : memref<80x128xf32, #tpu.memory_space<vmem>>, vector<1x16xf32>,
      %swap3A_93 = vector.shape_cast %swap3A_92 : vector<1x16xf32> to vector<16xf32>
      %swap3A_94 = vector.shape_cast %add3A_89 : vector<16xf32> to vector<1x16xf32>
      tpu.vector_store %arg5[%swap3A_90, %swap3A_91], %swap3A_94 {strides = array<i32>} : memref<80x128xf32, #tpu.memory_space<vmem>>, vector<1x16xf32>,
      %add3A_95 = arith.constant 0.000000e+00 : f32
      %add3A_96 = vector.broadcast %add3A_95 : f32 to vector<16xf32>
      %add3A_97 = arith.addf %broadcast_in_dim3A_0, %add3A_96 : vector<16xf32>
      %swap3A_98 = arith.index_cast %scan3A_38 : i32 to index
      %swap3A_99 = arith.constant 112 : index
      %swap3A_100 = tpu.vector_load %arg5[%swap3A_98, %swap3A_99] {strides = array<i32>} : memref<80x128xf32, #tpu.memory_space<vmem>>, vector<1x16xf32>,
      %swap3A_101 = vector.shape_cast %swap3A_100 : vector<1x16xf32> to vector<16xf32>
      %swap3A_102 = vector.shape_cast %add3A_97 : vector<16xf32> to vector<1x16xf32>
      tpu.vector_store %arg5[%swap3A_98, %swap3A_99], %swap3A_102 {strides = array<i32>} : memref<80x128xf32, #tpu.memory_space<vmem>>, vector<1x16xf32>,
      %scan3A_103 = arith.constant 0 : i32
      scf.yield %scan3A_103 : i32
    }
    %scan3A_6 = arith.constant 80 : i32
    %mul3A = arith.constant 640 : i32
    %mul3A_7 = arith.muli %arg1, %mul3A : i32
    %add3A = arith.constant 0 : i32
    %add3A_8 = arith.addi %mul3A_7, %add3A : i32
    "tpu.region"() ({
      %run_scoped3A = tpu.sem_alloc : memref<!tpu.dma_semaphore, #tpu.memory_space<semaphore_mem>>
      %dma_start3A = arith.constant 0 : i32
      %dma_start3A_38 = tpu.memref_slice %arg6[%add3A_8, %dma_start3A] : memref<10240x128xf32, #tpu.memory_space<vmem_shared>> -> memref<80x128xf32, #tpu.memory_space<vmem_shared>>
      %dma_start3A_39 = arith.constant 0 : i32
      %dma_start3A_40 = tpu.memref_slice %arg6[%add3A_8, %dma_start3A_39] : memref<10240x128xf32, #tpu.memory_space<vmem_shared>> -> memref<80x128xf32, #tpu.memory_space<vmem_shared>>
      tpu.enqueue_dma source(%arg5 : memref<80x128xf32, #tpu.memory_space<vmem>>) target(%dma_start3A_40 : memref<80x128xf32, #tpu.memory_space<vmem_shared>>) target_semaphore(%run_scoped3A : memref<!tpu.dma_semaphore, #tpu.memory_space<semaphore_mem>>)
      %dma_wait3A = arith.constant 0 : i32
      %dma_wait3A_41 = tpu.memref_slice %arg6[%add3A_8, %dma_wait3A] : memref<10240x128xf32, #tpu.memory_space<vmem_shared>> -> memref<80x128xf32, #tpu.memory_space<vmem_shared>>
      %dma_wait3A_42 = arith.constant 0 : i32
      %dma_wait3A_43 = tpu.memref_slice %arg6[%add3A_8, %dma_wait3A_42] : memref<10240x128xf32, #tpu.memory_space<vmem_shared>> -> memref<80x128xf32, #tpu.memory_space<vmem_shared>>
      tpu.wait_dma2 semaphore(%run_scoped3A : memref<!tpu.dma_semaphore, #tpu.memory_space<semaphore_mem>>) src(%arg5 : memref<80x128xf32, #tpu.memory_space<vmem>>) dst(%dma_wait3A_43 : memref<80x128xf32, #tpu.memory_space<vmem_shared>>)
      tpu.yield
    }) : () -> ()
    %add3A_9 = arith.constant 80 : i32
    %add3A_10 = arith.addi %mul3A_7, %add3A_9 : i32
    "tpu.region"() ({
      %run_scoped3A = tpu.sem_alloc : memref<!tpu.dma_semaphore, #tpu.memory_space<semaphore_mem>>
      %dma_start3A = arith.constant 0 : i32
      %dma_start3A_38 = tpu.memref_slice %arg6[%add3A_10, %dma_start3A] : memref<10240x128xf32, #tpu.memory_space<vmem_shared>> -> memref<80x128xf32, #tpu.memory_space<vmem_shared>>
      %dma_start3A_39 = arith.constant 0 : i32
      %dma_start3A_40 = tpu.memref_slice %arg6[%add3A_10, %dma_start3A_39] : memref<10240x128xf32, #tpu.memory_space<vmem_shared>> -> memref<80x128xf32, #tpu.memory_space<vmem_shared>>
      tpu.enqueue_dma source(%arg5 : memref<80x128xf32, #tpu.memory_space<vmem>>) target(%dma_start3A_40 : memref<80x128xf32, #tpu.memory_space<vmem_shared>>) target_semaphore(%run_scoped3A : memref<!tpu.dma_semaphore, #tpu.memory_space<semaphore_mem>>)
      %dma_wait3A = arith.constant 0 : i32
      %dma_wait3A_41 = tpu.memref_slice %arg6[%add3A_10, %dma_wait3A] : memref<10240x128xf32, #tpu.memory_space<vmem_shared>> -> memref<80x128xf32, #tpu.memory_space<vmem_shared>>
      %dma_wait3A_42 = arith.constant 0 : i32
      %dma_wait3A_43 = tpu.memref_slice %arg6[%add3A_10, %dma_wait3A_42] : memref<10240x128xf32, #tpu.memory_space<vmem_shared>> -> memref<80x128xf32, #tpu.memory_space<vmem_shared>>
      tpu.wait_dma2 semaphore(%run_scoped3A : memref<!tpu.dma_semaphore, #tpu.memory_space<semaphore_mem>>) src(%arg5 : memref<80x128xf32, #tpu.memory_space<vmem>>) dst(%dma_wait3A_43 : memref<80x128xf32, #tpu.memory_space<vmem_shared>>)
      tpu.yield
    }) : () -> ()
    %add3A_11 = arith.constant 160 : i32
    %add3A_12 = arith.addi %mul3A_7, %add3A_11 : i32
    "tpu.region"() ({
      %run_scoped3A = tpu.sem_alloc : memref<!tpu.dma_semaphore, #tpu.memory_space<semaphore_mem>>
      %dma_start3A = arith.constant 0 : i32
      %dma_start3A_38 = tpu.memref_slice %arg6[%add3A_12, %dma_start3A] : memref<10240x128xf32, #tpu.memory_space<vmem_shared>> -> memref<80x128xf32, #tpu.memory_space<vmem_shared>>
      %dma_start3A_39 = arith.constant 0 : i32
      %dma_start3A_40 = tpu.memref_slice %arg6[%add3A_12, %dma_start3A_39] : memref<10240x128xf32, #tpu.memory_space<vmem_shared>> -> memref<80x128xf32, #tpu.memory_space<vmem_shared>>
      tpu.enqueue_dma source(%arg5 : memref<80x128xf32, #tpu.memory_space<vmem>>) target(%dma_start3A_40 : memref<80x128xf32, #tpu.memory_space<vmem_shared>>) target_semaphore(%run_scoped3A : memref<!tpu.dma_semaphore, #tpu.memory_space<semaphore_mem>>)
      %dma_wait3A = arith.constant 0 : i32
      %dma_wait3A_41 = tpu.memref_slice %arg6[%add3A_12, %dma_wait3A] : memref<10240x128xf32, #tpu.memory_space<vmem_shared>> -> memref<80x128xf32, #tpu.memory_space<vmem_shared>>
      %dma_wait3A_42 = arith.constant 0 : i32
      %dma_wait3A_43 = tpu.memref_slice %arg6[%add3A_12, %dma_wait3A_42] : memref<10240x128xf32, #tpu.memory_space<vmem_shared>> -> memref<80x128xf32, #tpu.memory_space<vmem_shared>>
      tpu.wait_dma2 semaphore(%run_scoped3A : memref<!tpu.dma_semaphore, #tpu.memory_space<semaphore_mem>>) src(%arg5 : memref<80x128xf32, #tpu.memory_space<vmem>>) dst(%dma_wait3A_43 : memref<80x128xf32, #tpu.memory_space<vmem_shared>>)
      tpu.yield
    }) : () -> ()
    %add3A_13 = arith.constant 240 : i32
    %add3A_14 = arith.addi %mul3A_7, %add3A_13 : i32
    "tpu.region"() ({
      %run_scoped3A = tpu.sem_alloc : memref<!tpu.dma_semaphore, #tpu.memory_space<semaphore_mem>>
      %dma_start3A = arith.constant 0 : i32
      %dma_start3A_38 = tpu.memref_slice %arg6[%add3A_14, %dma_start3A] : memref<10240x128xf32, #tpu.memory_space<vmem_shared>> -> memref<80x128xf32, #tpu.memory_space<vmem_shared>>
      %dma_start3A_39 = arith.constant 0 : i32
      %dma_start3A_40 = tpu.memref_slice %arg6[%add3A_14, %dma_start3A_39] : memref<10240x128xf32, #tpu.memory_space<vmem_shared>> -> memref<80x128xf32, #tpu.memory_space<vmem_shared>>
      tpu.enqueue_dma source(%arg5 : memref<80x128xf32, #tpu.memory_space<vmem>>) target(%dma_start3A_40 : memref<80x128xf32, #tpu.memory_space<vmem_shared>>) target_semaphore(%run_scoped3A : memref<!tpu.dma_semaphore, #tpu.memory_space<semaphore_mem>>)
      %dma_wait3A = arith.constant 0 : i32
      %dma_wait3A_41 = tpu.memref_slice %arg6[%add3A_14, %dma_wait3A] : memref<10240x128xf32, #tpu.memory_space<vmem_shared>> -> memref<80x128xf32, #tpu.memory_space<vmem_shared>>
      %dma_wait3A_42 = arith.constant 0 : i32
      %dma_wait3A_43 = tpu.memref_slice %arg6[%add3A_14, %dma_wait3A_42] : memref<10240x128xf32, #tpu.memory_space<vmem_shared>> -> memref<80x128xf32, #tpu.memory_space<vmem_shared>>
      tpu.wait_dma2 semaphore(%run_scoped3A : memref<!tpu.dma_semaphore, #tpu.memory_space<semaphore_mem>>) src(%arg5 : memref<80x128xf32, #tpu.memory_space<vmem>>) dst(%dma_wait3A_43 : memref<80x128xf32, #tpu.memory_space<vmem_shared>>)
      tpu.yield
    }) : () -> ()
    %add3A_15 = arith.constant 320 : i32
    %add3A_16 = arith.addi %mul3A_7, %add3A_15 : i32
    "tpu.region"() ({
      %run_scoped3A = tpu.sem_alloc : memref<!tpu.dma_semaphore, #tpu.memory_space<semaphore_mem>>
      %dma_start3A = arith.constant 0 : i32
      %dma_start3A_38 = tpu.memref_slice %arg6[%add3A_16, %dma_start3A] : memref<10240x128xf32, #tpu.memory_space<vmem_shared>> -> memref<80x128xf32, #tpu.memory_space<vmem_shared>>
      %dma_start3A_39 = arith.constant 0 : i32
      %dma_start3A_40 = tpu.memref_slice %arg6[%add3A_16, %dma_start3A_39] : memref<10240x128xf32, #tpu.memory_space<vmem_shared>> -> memref<80x128xf32, #tpu.memory_space<vmem_shared>>
      tpu.enqueue_dma source(%arg5 : memref<80x128xf32, #tpu.memory_space<vmem>>) target(%dma_start3A_40 : memref<80x128xf32, #tpu.memory_space<vmem_shared>>) target_semaphore(%run_scoped3A : memref<!tpu.dma_semaphore, #tpu.memory_space<semaphore_mem>>)
      %dma_wait3A = arith.constant 0 : i32
      %dma_wait3A_41 = tpu.memref_slice %arg6[%add3A_16, %dma_wait3A] : memref<10240x128xf32, #tpu.memory_space<vmem_shared>> -> memref<80x128xf32, #tpu.memory_space<vmem_shared>>
      %dma_wait3A_42 = arith.constant 0 : i32
      %dma_wait3A_43 = tpu.memref_slice %arg6[%add3A_16, %dma_wait3A_42] : memref<10240x128xf32, #tpu.memory_space<vmem_shared>> -> memref<80x128xf32, #tpu.memory_space<vmem_shared>>
      tpu.wait_dma2 semaphore(%run_scoped3A : memref<!tpu.dma_semaphore, #tpu.memory_space<semaphore_mem>>) src(%arg5 : memref<80x128xf32, #tpu.memory_space<vmem>>) dst(%dma_wait3A_43 : memref<80x128xf32, #tpu.memory_space<vmem_shared>>)
      tpu.yield
    }) : () -> ()
    %add3A_17 = arith.constant 400 : i32
    %add3A_18 = arith.addi %mul3A_7, %add3A_17 : i32
    "tpu.region"() ({
      %run_scoped3A = tpu.sem_alloc : memref<!tpu.dma_semaphore, #tpu.memory_space<semaphore_mem>>
      %dma_start3A = arith.constant 0 : i32
      %dma_start3A_38 = tpu.memref_slice %arg6[%add3A_18, %dma_start3A] : memref<10240x128xf32, #tpu.memory_space<vmem_shared>> -> memref<80x128xf32, #tpu.memory_space<vmem_shared>>
      %dma_start3A_39 = arith.constant 0 : i32
      %dma_start3A_40 = tpu.memref_slice %arg6[%add3A_18, %dma_start3A_39] : memref<10240x128xf32, #tpu.memory_space<vmem_shared>> -> memref<80x128xf32, #tpu.memory_space<vmem_shared>>
      tpu.enqueue_dma source(%arg5 : memref<80x128xf32, #tpu.memory_space<vmem>>) target(%dma_start3A_40 : memref<80x128xf32, #tpu.memory_space<vmem_shared>>) target_semaphore(%run_scoped3A : memref<!tpu.dma_semaphore, #tpu.memory_space<semaphore_mem>>)
      %dma_wait3A = arith.constant 0 : i32
      %dma_wait3A_41 = tpu.memref_slice %arg6[%add3A_18, %dma_wait3A] : memref<10240x128xf32, #tpu.memory_space<vmem_shared>> -> memref<80x128xf32, #tpu.memory_space<vmem_shared>>
      %dma_wait3A_42 = arith.constant 0 : i32
      %dma_wait3A_43 = tpu.memref_slice %arg6[%add3A_18, %dma_wait3A_42] : memref<10240x128xf32, #tpu.memory_space<vmem_shared>> -> memref<80x128xf32, #tpu.memory_space<vmem_shared>>
      tpu.wait_dma2 semaphore(%run_scoped3A : memref<!tpu.dma_semaphore, #tpu.memory_space<semaphore_mem>>) src(%arg5 : memref<80x128xf32, #tpu.memory_space<vmem>>) dst(%dma_wait3A_43 : memref<80x128xf32, #tpu.memory_space<vmem_shared>>)
      tpu.yield
    }) : () -> ()
    %add3A_19 = arith.constant 480 : i32
    %add3A_20 = arith.addi %mul3A_7, %add3A_19 : i32
    "tpu.region"() ({
      %run_scoped3A = tpu.sem_alloc : memref<!tpu.dma_semaphore, #tpu.memory_space<semaphore_mem>>
      %dma_start3A = arith.constant 0 : i32
      %dma_start3A_38 = tpu.memref_slice %arg6[%add3A_20, %dma_start3A] : memref<10240x128xf32, #tpu.memory_space<vmem_shared>> -> memref<80x128xf32, #tpu.memory_space<vmem_shared>>
      %dma_start3A_39 = arith.constant 0 : i32
      %dma_start3A_40 = tpu.memref_slice %arg6[%add3A_20, %dma_start3A_39] : memref<10240x128xf32, #tpu.memory_space<vmem_shared>> -> memref<80x128xf32, #tpu.memory_space<vmem_shared>>
      tpu.enqueue_dma source(%arg5 : memref<80x128xf32, #tpu.memory_space<vmem>>) target(%dma_start3A_40 : memref<80x128xf32, #tpu.memory_space<vmem_shared>>) target_semaphore(%run_scoped3A : memref<!tpu.dma_semaphore, #tpu.memory_space<semaphore_mem>>)
      %dma_wait3A = arith.constant 0 : i32
      %dma_wait3A_41 = tpu.memref_slice %arg6[%add3A_20, %dma_wait3A] : memref<10240x128xf32, #tpu.memory_space<vmem_shared>> -> memref<80x128xf32, #tpu.memory_space<vmem_shared>>
      %dma_wait3A_42 = arith.constant 0 : i32
      %dma_wait3A_43 = tpu.memref_slice %arg6[%add3A_20, %dma_wait3A_42] : memref<10240x128xf32, #tpu.memory_space<vmem_shared>> -> memref<80x128xf32, #tpu.memory_space<vmem_shared>>
      tpu.wait_dma2 semaphore(%run_scoped3A : memref<!tpu.dma_semaphore, #tpu.memory_space<semaphore_mem>>) src(%arg5 : memref<80x128xf32, #tpu.memory_space<vmem>>) dst(%dma_wait3A_43 : memref<80x128xf32, #tpu.memory_space<vmem_shared>>)
      tpu.yield
    }) : () -> ()
    %add3A_21 = arith.constant 560 : i32
    %add3A_22 = arith.addi %mul3A_7, %add3A_21 : i32
    "tpu.region"() ({
      %run_scoped3A = tpu.sem_alloc : memref<!tpu.dma_semaphore, #tpu.memory_space<semaphore_mem>>
      %dma_start3A = arith.constant 0 : i32
      %dma_start3A_38 = tpu.memref_slice %arg6[%add3A_22, %dma_start3A] : memref<10240x128xf32, #tpu.memory_space<vmem_shared>> -> memref<80x128xf32, #tpu.memory_space<vmem_shared>>
      %dma_start3A_39 = arith.constant 0 : i32
      %dma_start3A_40 = tpu.memref_slice %arg6[%add3A_22, %dma_start3A_39] : memref<10240x128xf32, #tpu.memory_space<vmem_shared>> -> memref<80x128xf32, #tpu.memory_space<vmem_shared>>
      tpu.enqueue_dma source(%arg5 : memref<80x128xf32, #tpu.memory_space<vmem>>) target(%dma_start3A_40 : memref<80x128xf32, #tpu.memory_space<vmem_shared>>) target_semaphore(%run_scoped3A : memref<!tpu.dma_semaphore, #tpu.memory_space<semaphore_mem>>)
      %dma_wait3A = arith.constant 0 : i32
      %dma_wait3A_41 = tpu.memref_slice %arg6[%add3A_22, %dma_wait3A] : memref<10240x128xf32, #tpu.memory_space<vmem_shared>> -> memref<80x128xf32, #tpu.memory_space<vmem_shared>>
      %dma_wait3A_42 = arith.constant 0 : i32
      %dma_wait3A_43 = tpu.memref_slice %arg6[%add3A_22, %dma_wait3A_42] : memref<10240x128xf32, #tpu.memory_space<vmem_shared>> -> memref<80x128xf32, #tpu.memory_space<vmem_shared>>
      tpu.wait_dma2 semaphore(%run_scoped3A : memref<!tpu.dma_semaphore, #tpu.memory_space<semaphore_mem>>) src(%arg5 : memref<80x128xf32, #tpu.memory_space<vmem>>) dst(%dma_wait3A_43 : memref<80x128xf32, #tpu.memory_space<vmem_shared>>)
      tpu.yield
    }) : () -> ()
    %scan3A_23 = arith.constant 0 : i32
    %scan3A_24 = arith.constant 0 : i32
    %scan3A_25 = arith.constant 80 : i32
    %scan3A_26 = arith.addi %scan3A_24, %scan3A_25 : i32
    %scan3A_27 = arith.constant 1 : i32
    %scan3A_28 = scf.for %scan3A_38 = %scan3A_24 to %scan3A_26 step %scan3A_27 iter_args(%scan3A_39 = %scan3A_23) -> (i32)  : i32 {
      %add3A_40 = arith.constant 1.000000e+00 : f32
      %add3A_41 = vector.broadcast %add3A_40 : f32 to vector<16xf32>
      %add3A_42 = arith.addf %broadcast_in_dim3A_0, %add3A_41 : vector<16xf32>
      %swap3A = arith.index_cast %scan3A_38 : i32 to index
      %swap3A_43 = arith.constant 0 : index
      %swap3A_44 = tpu.vector_load %arg5[%swap3A, %swap3A_43] {strides = array<i32>} : memref<80x128xf32, #tpu.memory_space<vmem>>, vector<1x16xf32>,
      %swap3A_45 = vector.shape_cast %swap3A_44 : vector<1x16xf32> to vector<16xf32>
      %swap3A_46 = vector.shape_cast %add3A_42 : vector<16xf32> to vector<1x16xf32>
      tpu.vector_store %arg5[%swap3A, %swap3A_43], %swap3A_46 {strides = array<i32>} : memref<80x128xf32, #tpu.memory_space<vmem>>, vector<1x16xf32>,
      %add3A_47 = arith.constant 1.000000e+00 : f32
      %add3A_48 = vector.broadcast %add3A_47 : f32 to vector<16xf32>
      %add3A_49 = arith.addf %broadcast_in_dim3A_0, %add3A_48 : vector<16xf32>
      %swap3A_50 = arith.index_cast %scan3A_38 : i32 to index
      %swap3A_51 = arith.constant 16 : index
      %swap3A_52 = tpu.vector_load %arg5[%swap3A_50, %swap3A_51] {strides = array<i32>} : memref<80x128xf32, #tpu.memory_space<vmem>>, vector<1x16xf32>,
      %swap3A_53 = vector.shape_cast %swap3A_52 : vector<1x16xf32> to vector<16xf32>
      %swap3A_54 = vector.shape_cast %add3A_49 : vector<16xf32> to vector<1x16xf32>
      tpu.vector_store %arg5[%swap3A_50, %swap3A_51], %swap3A_54 {strides = array<i32>} : memref<80x128xf32, #tpu.memory_space<vmem>>, vector<1x16xf32>,
      %add3A_55 = arith.constant 1.000000e+00 : f32
      %add3A_56 = vector.broadcast %add3A_55 : f32 to vector<16xf32>
      %add3A_57 = arith.addf %broadcast_in_dim3A_0, %add3A_56 : vector<16xf32>
      %swap3A_58 = arith.index_cast %scan3A_38 : i32 to index
      %swap3A_59 = arith.constant 32 : index
      %swap3A_60 = tpu.vector_load %arg5[%swap3A_58, %swap3A_59] {strides = array<i32>} : memref<80x128xf32, #tpu.memory_space<vmem>>, vector<1x16xf32>,
      %swap3A_61 = vector.shape_cast %swap3A_60 : vector<1x16xf32> to vector<16xf32>
      %swap3A_62 = vector.shape_cast %add3A_57 : vector<16xf32> to vector<1x16xf32>
      tpu.vector_store %arg5[%swap3A_58, %swap3A_59], %swap3A_62 {strides = array<i32>} : memref<80x128xf32, #tpu.memory_space<vmem>>, vector<1x16xf32>,
      %add3A_63 = arith.constant 1.000000e+00 : f32
      %add3A_64 = vector.broadcast %add3A_63 : f32 to vector<16xf32>
      %add3A_65 = arith.addf %broadcast_in_dim3A_0, %add3A_64 : vector<16xf32>
      %swap3A_66 = arith.index_cast %scan3A_38 : i32 to index
      %swap3A_67 = arith.constant 48 : index
      %swap3A_68 = tpu.vector_load %arg5[%swap3A_66, %swap3A_67] {strides = array<i32>} : memref<80x128xf32, #tpu.memory_space<vmem>>, vector<1x16xf32>,
      %swap3A_69 = vector.shape_cast %swap3A_68 : vector<1x16xf32> to vector<16xf32>
      %swap3A_70 = vector.shape_cast %add3A_65 : vector<16xf32> to vector<1x16xf32>
      tpu.vector_store %arg5[%swap3A_66, %swap3A_67], %swap3A_70 {strides = array<i32>} : memref<80x128xf32, #tpu.memory_space<vmem>>, vector<1x16xf32>,
      %add3A_71 = arith.constant 1.000000e+00 : f32
      %add3A_72 = vector.broadcast %add3A_71 : f32 to vector<16xf32>
      %add3A_73 = arith.addf %broadcast_in_dim3A_0, %add3A_72 : vector<16xf32>
      %swap3A_74 = arith.index_cast %scan3A_38 : i32 to index
      %swap3A_75 = arith.constant 64 : index
      %swap3A_76 = tpu.vector_load %arg5[%swap3A_74, %swap3A_75] {strides = array<i32>} : memref<80x128xf32, #tpu.memory_space<vmem>>, vector<1x16xf32>,
      %swap3A_77 = vector.shape_cast %swap3A_76 : vector<1x16xf32> to vector<16xf32>
      %swap3A_78 = vector.shape_cast %add3A_73 : vector<16xf32> to vector<1x16xf32>
      tpu.vector_store %arg5[%swap3A_74, %swap3A_75], %swap3A_78 {strides = array<i32>} : memref<80x128xf32, #tpu.memory_space<vmem>>, vector<1x16xf32>,
      %add3A_79 = arith.constant 1.000000e+00 : f32
      %add3A_80 = vector.broadcast %add3A_79 : f32 to vector<16xf32>
      %add3A_81 = arith.addf %broadcast_in_dim3A_0, %add3A_80 : vector<16xf32>
      %swap3A_82 = arith.index_cast %scan3A_38 : i32 to index
      %swap3A_83 = arith.constant 80 : index
      %swap3A_84 = tpu.vector_load %arg5[%swap3A_82, %swap3A_83] {strides = array<i32>} : memref<80x128xf32, #tpu.memory_space<vmem>>, vector<1x16xf32>,
      %swap3A_85 = vector.shape_cast %swap3A_84 : vector<1x16xf32> to vector<16xf32>
      %swap3A_86 = vector.shape_cast %add3A_81 : vector<16xf32> to vector<1x16xf32>
      tpu.vector_store %arg5[%swap3A_82, %swap3A_83], %swap3A_86 {strides = array<i32>} : memref<80x128xf32, #tpu.memory_space<vmem>>, vector<1x16xf32>,
      %add3A_87 = arith.constant 1.000000e+00 : f32
      %add3A_88 = vector.broadcast %add3A_87 : f32 to vector<16xf32>
      %add3A_89 = arith.addf %broadcast_in_dim3A_0, %add3A_88 : vector<16xf32>
      %swap3A_90 = arith.index_cast %scan3A_38 : i32 to index
      %swap3A_91 = arith.constant 96 : index
      %swap3A_92 = tpu.vector_load %arg5[%swap3A_90, %swap3A_91] {strides = array<i32>} : memref<80x128xf32, #tpu.memory_space<vmem>>, vector<1x16xf32>,
      %swap3A_93 = vector.shape_cast %swap3A_92 : vector<1x16xf32> to vector<16xf32>
      %swap3A_94 = vector.shape_cast %add3A_89 : vector<16xf32> to vector<1x16xf32>
      tpu.vector_store %arg5[%swap3A_90, %swap3A_91], %swap3A_94 {strides = array<i32>} : memref<80x128xf32, #tpu.memory_space<vmem>>, vector<1x16xf32>,
      %add3A_95 = arith.constant 1.000000e+00 : f32
      %add3A_96 = vector.broadcast %add3A_95 : f32 to vector<16xf32>
      %add3A_97 = arith.addf %broadcast_in_dim3A_0, %add3A_96 : vector<16xf32>
      %swap3A_98 = arith.index_cast %scan3A_38 : i32 to index
      %swap3A_99 = arith.constant 112 : index
      %swap3A_100 = tpu.vector_load %arg5[%swap3A_98, %swap3A_99] {strides = array<i32>} : memref<80x128xf32, #tpu.memory_space<vmem>>, vector<1x16xf32>,
      %swap3A_101 = vector.shape_cast %swap3A_100 : vector<1x16xf32> to vector<16xf32>
      %swap3A_102 = vector.shape_cast %add3A_97 : vector<16xf32> to vector<1x16xf32>
      tpu.vector_store %arg5[%swap3A_98, %swap3A_99], %swap3A_102 {strides = array<i32>} : memref<80x128xf32, #tpu.memory_space<vmem>>, vector<1x16xf32>,
      %scan3A_103 = arith.constant 0 : i32
      scf.yield %scan3A_103 : i32
    }
    %scan3A_29 = arith.constant 80 : i32
    %barrier3A = arith.constant 0 : index
    tpu.barrier barrier_id(%barrier3A)
    "tpu.region"() ({
      %run_scoped3A = tpu.sem_alloc : memref<!tpu.dma_semaphore, #tpu.memory_space<semaphore_mem>>
      %dma_start3A = arith.constant 0 : i32
      %dma_start3A_38 = arith.constant 0 : i32
      %dma_start3A_39 = tpu.memref_slice %arg2[%arg0, %arg1, %dma_start3A, %dma_start3A_38] : memref<2x16x128x80xi32, #tpu.memory_space<hbm>> -> memref<1x1x128x80xi32, #tpu.memory_space<hbm>>
      %dma_start3A_40 = tpu.memref_squeeze %dma_start3A_39 : memref<1x1x128x80xi32, #tpu.memory_space<hbm>> -> memref<128x80xi32, #tpu.memory_space<hbm>>
      %dma_start3A_41 = arith.constant 0 : i32
      %dma_start3A_42 = arith.constant 0 : i32
      %dma_start3A_43 = tpu.memref_slice %arg2[%arg0, %arg1, %dma_start3A_41, %dma_start3A_42] : memref<2x16x128x80xi32, #tpu.memory_space<hbm>> -> memref<1x1x128x80xi32, #tpu.memory_space<hbm>>
      %dma_start3A_44 = tpu.memref_squeeze %dma_start3A_43 : memref<1x1x128x80xi32, #tpu.memory_space<hbm>> -> memref<128x80xi32, #tpu.memory_space<hbm>>
      tpu.enqueue_dma source(%dma_start3A_44 : memref<128x80xi32, #tpu.memory_space<hbm>>) target(%arg4 : memref<128x80xi32, #tpu.memory_space<vmem>>) target_semaphore(%run_scoped3A : memref<!tpu.dma_semaphore, #tpu.memory_space<semaphore_mem>>)
      %dma_wait3A = arith.constant 0 : i32
      %dma_wait3A_45 = arith.constant 0 : i32
      %dma_wait3A_46 = tpu.memref_slice %arg2[%arg0, %arg1, %dma_wait3A, %dma_wait3A_45] : memref<2x16x128x80xi32, #tpu.memory_space<hbm>> -> memref<1x1x128x80xi32, #tpu.memory_space<hbm>>
      %dma_wait3A_47 = tpu.memref_squeeze %dma_wait3A_46 : memref<1x1x128x80xi32, #tpu.memory_space<hbm>> -> memref<128x80xi32, #tpu.memory_space<hbm>>
      %dma_wait3A_48 = arith.constant 0 : i32
      %dma_wait3A_49 = arith.constant 0 : i32
      %dma_wait3A_50 = tpu.memref_slice %arg2[%arg0, %arg1, %dma_wait3A_48, %dma_wait3A_49] : memref<2x16x128x80xi32, #tpu.memory_space<hbm>> -> memref<1x1x128x80xi32, #tpu.memory_space<hbm>>
      %dma_wait3A_51 = tpu.memref_squeeze %dma_wait3A_50 : memref<1x1x128x80xi32, #tpu.memory_space<hbm>> -> memref<128x80xi32, #tpu.memory_space<hbm>>
      tpu.wait_dma2 semaphore(%run_scoped3A : memref<!tpu.dma_semaphore, #tpu.memory_space<semaphore_mem>>) src(%dma_wait3A_51 : memref<128x80xi32, #tpu.memory_space<hbm>>) dst(%arg4 : memref<128x80xi32, #tpu.memory_space<vmem>>)
      tpu.yield
    }) : () -> ()
    %scan3A_30 = arith.constant 0 : i32
    %scan3A_31 = arith.constant 0 : i32
    %scan3A_32 = arith.constant 128 : i32
    %scan3A_33 = arith.addi %scan3A_31, %scan3A_32 : i32
    %scan3A_34 = arith.constant 1 : i32
    %scan3A_35 = scf.for %scan3A_38 = %scan3A_31 to %scan3A_33 step %scan3A_34 iter_args(%scan3A_39 = %scan3A_30) -> (i32)  : i32 {
      "tpu.region"() ({
        %run_scoped3A = tpu.sem_alloc : memref<!tpu.dma_semaphore, #tpu.memory_space<semaphore_mem>>
        %dma_start3A = arith.constant 0 : i32
        %dma_start3A_41 = tpu.memref_slice %arg4[%scan3A_38, %dma_start3A] : memref<128x80xi32, #tpu.memory_space<vmem>> -> memref<1x80xi32, #tpu.memory_space<vmem>>
        %dma_start3A_42 = tpu.memref_squeeze %dma_start3A_41 : memref<1x80xi32, #tpu.memory_space<vmem>> -> memref<80xi32, #tpu.memory_space<vmem>>
        %dma_start3A_43 = arith.constant 0 : i32
        %dma_start3A_44 = arith.constant 0 : i32
        %dma_start3A_45 = tpu.memref_slice %arg6[%dma_start3A_43, %dma_start3A_44] : memref<10240x128xf32, #tpu.memory_space<vmem_shared>> -> memref<10240x128xf32, #tpu.memory_space<vmem_shared>>
        tpu.enqueue_indirect_dma source(%arg5 : memref<80x128xf32, #tpu.memory_space<vmem>>) target(%dma_start3A_45 : memref<10240x128xf32, #tpu.memory_space<vmem_shared>>) offsets(%dma_start3A_42 : memref<80xi32, #tpu.memory_space<vmem>>) semaphore(%run_scoped3A : memref<!tpu.dma_semaphore, #tpu.memory_space<semaphore_mem>>) {add = true}
        %dma_wait3A = arith.constant 0 : i32
        %dma_wait3A_46 = tpu.memref_slice %arg4[%scan3A_38, %dma_wait3A] : memref<128x80xi32, #tpu.memory_space<vmem>> -> memref<1x80xi32, #tpu.memory_space<vmem>>
        %dma_wait3A_47 = tpu.memref_squeeze %dma_wait3A_46 : memref<1x80xi32, #tpu.memory_space<vmem>> -> memref<80xi32, #tpu.memory_space<vmem>>
        %dma_wait3A_48 = arith.constant 0 : i32
        %dma_wait3A_49 = arith.constant 0 : i32
        %dma_wait3A_50 = tpu.memref_slice %arg6[%dma_wait3A_48, %dma_wait3A_49] : memref<10240x128xf32, #tpu.memory_space<vmem_shared>> -> memref<10240x128xf32, #tpu.memory_space<vmem_shared>>
        tpu.wait_indirect_dma semaphore(%run_scoped3A : memref<!tpu.dma_semaphore, #tpu.memory_space<semaphore_mem>>) src(%arg5 : memref<80x128xf32, #tpu.memory_space<vmem>>) dst(%dma_wait3A_50 : memref<10240x128xf32, #tpu.memory_space<vmem_shared>>)
        tpu.yield
      }) : () -> ()
      %scan3A_40 = arith.constant 0 : i32
      scf.yield %scan3A_40 : i32
    }
    %scan3A_36 = arith.constant 128 : i32
    %barrier3A_37 = arith.constant 0 : index
    tpu.barrier barrier_id(%barrier3A_37)
    "tpu.region"() ({
      %run_scoped3A = tpu.sem_alloc : memref<!tpu.dma_semaphore, #tpu.memory_space<semaphore_mem>>
      %dma_start3A = arith.constant 0 : i32
      %dma_start3A_38 = tpu.memref_slice %arg3[%arg0, %mul3A_7, %dma_start3A] : memref<2x10240x128xf32, #tpu.memory_space<hbm>> -> memref<1x640x128xf32, #tpu.memory_space<hbm>>
      %dma_start3A_39 = tpu.memref_squeeze %dma_start3A_38 : memref<1x640x128xf32, #tpu.memory_space<hbm>> -> memref<640x128xf32, #tpu.memory_space<hbm>>
      %dma_start3A_40 = arith.constant 0 : i32
      %dma_start3A_41 = tpu.memref_slice %arg6[%mul3A_7, %dma_start3A_40] : memref<10240x128xf32, #tpu.memory_space<vmem_shared>> -> memref<640x128xf32, #tpu.memory_space<vmem_shared>>
      tpu.enqueue_dma source(%dma_start3A_41 : memref<640x128xf32, #tpu.memory_space<vmem_shared>>) target(%dma_start3A_39 : memref<640x128xf32, #tpu.memory_space<hbm>>) target_semaphore(%run_scoped3A : memref<!tpu.dma_semaphore, #tpu.memory_space<semaphore_mem>>)
      %dma_wait3A = arith.constant 0 : i32
      %dma_wait3A_42 = tpu.memref_slice %arg3[%arg0, %mul3A_7, %dma_wait3A] : memref<2x10240x128xf32, #tpu.memory_space<hbm>> -> memref<1x640x128xf32, #tpu.memory_space<hbm>>
      %dma_wait3A_43 = tpu.memref_squeeze %dma_wait3A_42 : memref<1x640x128xf32, #tpu.memory_space<hbm>> -> memref<640x128xf32, #tpu.memory_space<hbm>>
      %dma_wait3A_44 = arith.constant 0 : i32
      %dma_wait3A_45 = tpu.memref_slice %arg6[%mul3A_7, %dma_wait3A_44] : memref<10240x128xf32, #tpu.memory_space<vmem_shared>> -> memref<640x128xf32, #tpu.memory_space<vmem_shared>>
      tpu.wait_dma2 semaphore(%run_scoped3A : memref<!tpu.dma_semaphore, #tpu.memory_space<semaphore_mem>>) src(%dma_wait3A_45 : memref<640x128xf32, #tpu.memory_space<vmem_shared>>) dst(%dma_wait3A_43 : memref<640x128xf32, #tpu.memory_space<hbm>>)
      tpu.yield
    }) : () -> ()
    return
  }
}

#map = affine_map<(d0, d1) -> (0, 0)>
#map1 = affine_map<(d0, d1) -> (0, 0, 0, 0)>
#map2 = affine_map<(d0, d1) -> (0, 0, 0)>
module attributes {stable_mosaic.version = 14 : i64} {
  func.func @_edge_agg(%arg0: i32, %arg1: i32, %arg2: memref<10000x128xf32, #tpu.memory_space<hbm>>, %arg3: memref<2x16x128x80xi32, #tpu.memory_space<hbm>>, %arg4: memref<2x16x128x80xi32, #tpu.memory_space<hbm>>, %arg5: memref<2x10240x128xf32, #tpu.memory_space<hbm>>, %arg6: memref<64x80xi32, #tpu.memory_space<vmem>>, %arg7: memref<64x80xi32, #tpu.memory_space<vmem>>, %arg8: memref<80x128xf32, #tpu.memory_space<vmem>>, %arg9: memref<80x128xf32, #tpu.memory_space<vmem>>, %arg10: memref<10240x128xf32, #tpu.memory_space<vmem_shared>>, %arg11: memref<!tpu.dma_semaphore, #tpu.memory_space<semaphore_mem>>) attributes {dimension_semantics = [#tpu.dimension_semantics<core_parallel>, #tpu.dimension_semantics<subcore_parallel>], iteration_bounds = array<i64: 2, 16>, scalar_prefetch = 0 : i64, scratch_operands = 6 : i64, tpu.core_type = #tpu.core_type<sc_vector_subcore>, window_params = [{transform_indices = #map}, {transform_indices = #map1}, {transform_indices = #map1}, {transform_indices = #map2}]} {
    %broadcast_in_dim3A = arith.constant 0.000000e+00 : f32
    %broadcast_in_dim3A_0 = vector.broadcast %broadcast_in_dim3A : f32 to vector<16xf32>
    %scan3A = arith.constant 0 : i32
    %scan3A_1 = arith.constant 0 : i32
    %scan3A_2 = arith.constant 80 : i32
    %scan3A_3 = arith.addi %scan3A_1, %scan3A_2 : i32
    %scan3A_4 = arith.constant 1 : i32
    %scan3A_5 = scf.for %scan3A_64 = %scan3A_1 to %scan3A_3 step %scan3A_4 iter_args(%scan3A_65 = %scan3A) -> (i32)  : i32 {
      %swap3A = arith.index_cast %scan3A_64 : i32 to index
      %swap3A_66 = arith.constant 0 : index
      %swap3A_67 = tpu.vector_load %arg8[%swap3A, %swap3A_66] {strides = array<i32>} : memref<80x128xf32, #tpu.memory_space<vmem>>, vector<1x16xf32>,
      %swap3A_68 = vector.shape_cast %swap3A_67 : vector<1x16xf32> to vector<16xf32>
      %swap3A_69 = vector.shape_cast %broadcast_in_dim3A_0 : vector<16xf32> to vector<1x16xf32>
      tpu.vector_store %arg8[%swap3A, %swap3A_66], %swap3A_69 {strides = array<i32>} : memref<80x128xf32, #tpu.memory_space<vmem>>, vector<1x16xf32>,
      %swap3A_70 = arith.index_cast %scan3A_64 : i32 to index
      %swap3A_71 = arith.constant 16 : index
      %swap3A_72 = tpu.vector_load %arg8[%swap3A_70, %swap3A_71] {strides = array<i32>} : memref<80x128xf32, #tpu.memory_space<vmem>>, vector<1x16xf32>,
      %swap3A_73 = vector.shape_cast %swap3A_72 : vector<1x16xf32> to vector<16xf32>
      %swap3A_74 = vector.shape_cast %broadcast_in_dim3A_0 : vector<16xf32> to vector<1x16xf32>
      tpu.vector_store %arg8[%swap3A_70, %swap3A_71], %swap3A_74 {strides = array<i32>} : memref<80x128xf32, #tpu.memory_space<vmem>>, vector<1x16xf32>,
      %swap3A_75 = arith.index_cast %scan3A_64 : i32 to index
      %swap3A_76 = arith.constant 32 : index
      %swap3A_77 = tpu.vector_load %arg8[%swap3A_75, %swap3A_76] {strides = array<i32>} : memref<80x128xf32, #tpu.memory_space<vmem>>, vector<1x16xf32>,
      %swap3A_78 = vector.shape_cast %swap3A_77 : vector<1x16xf32> to vector<16xf32>
      %swap3A_79 = vector.shape_cast %broadcast_in_dim3A_0 : vector<16xf32> to vector<1x16xf32>
      tpu.vector_store %arg8[%swap3A_75, %swap3A_76], %swap3A_79 {strides = array<i32>} : memref<80x128xf32, #tpu.memory_space<vmem>>, vector<1x16xf32>,
      %swap3A_80 = arith.index_cast %scan3A_64 : i32 to index
      %swap3A_81 = arith.constant 48 : index
      %swap3A_82 = tpu.vector_load %arg8[%swap3A_80, %swap3A_81] {strides = array<i32>} : memref<80x128xf32, #tpu.memory_space<vmem>>, vector<1x16xf32>,
      %swap3A_83 = vector.shape_cast %swap3A_82 : vector<1x16xf32> to vector<16xf32>
      %swap3A_84 = vector.shape_cast %broadcast_in_dim3A_0 : vector<16xf32> to vector<1x16xf32>
      tpu.vector_store %arg8[%swap3A_80, %swap3A_81], %swap3A_84 {strides = array<i32>} : memref<80x128xf32, #tpu.memory_space<vmem>>, vector<1x16xf32>,
      %swap3A_85 = arith.index_cast %scan3A_64 : i32 to index
      %swap3A_86 = arith.constant 64 : index
      %swap3A_87 = tpu.vector_load %arg8[%swap3A_85, %swap3A_86] {strides = array<i32>} : memref<80x128xf32, #tpu.memory_space<vmem>>, vector<1x16xf32>,
      %swap3A_88 = vector.shape_cast %swap3A_87 : vector<1x16xf32> to vector<16xf32>
      %swap3A_89 = vector.shape_cast %broadcast_in_dim3A_0 : vector<16xf32> to vector<1x16xf32>
      tpu.vector_store %arg8[%swap3A_85, %swap3A_86], %swap3A_89 {strides = array<i32>} : memref<80x128xf32, #tpu.memory_space<vmem>>, vector<1x16xf32>,
      %swap3A_90 = arith.index_cast %scan3A_64 : i32 to index
      %swap3A_91 = arith.constant 80 : index
      %swap3A_92 = tpu.vector_load %arg8[%swap3A_90, %swap3A_91] {strides = array<i32>} : memref<80x128xf32, #tpu.memory_space<vmem>>, vector<1x16xf32>,
      %swap3A_93 = vector.shape_cast %swap3A_92 : vector<1x16xf32> to vector<16xf32>
      %swap3A_94 = vector.shape_cast %broadcast_in_dim3A_0 : vector<16xf32> to vector<1x16xf32>
      tpu.vector_store %arg8[%swap3A_90, %swap3A_91], %swap3A_94 {strides = array<i32>} : memref<80x128xf32, #tpu.memory_space<vmem>>, vector<1x16xf32>,
      %swap3A_95 = arith.index_cast %scan3A_64 : i32 to index
      %swap3A_96 = arith.constant 96 : index
      %swap3A_97 = tpu.vector_load %arg8[%swap3A_95, %swap3A_96] {strides = array<i32>} : memref<80x128xf32, #tpu.memory_space<vmem>>, vector<1x16xf32>,
      %swap3A_98 = vector.shape_cast %swap3A_97 : vector<1x16xf32> to vector<16xf32>
      %swap3A_99 = vector.shape_cast %broadcast_in_dim3A_0 : vector<16xf32> to vector<1x16xf32>
      tpu.vector_store %arg8[%swap3A_95, %swap3A_96], %swap3A_99 {strides = array<i32>} : memref<80x128xf32, #tpu.memory_space<vmem>>, vector<1x16xf32>,
      %swap3A_100 = arith.index_cast %scan3A_64 : i32 to index
      %swap3A_101 = arith.constant 112 : index
      %swap3A_102 = tpu.vector_load %arg8[%swap3A_100, %swap3A_101] {strides = array<i32>} : memref<80x128xf32, #tpu.memory_space<vmem>>, vector<1x16xf32>,
      %swap3A_103 = vector.shape_cast %swap3A_102 : vector<1x16xf32> to vector<16xf32>
      %swap3A_104 = vector.shape_cast %broadcast_in_dim3A_0 : vector<16xf32> to vector<1x16xf32>
      tpu.vector_store %arg8[%swap3A_100, %swap3A_101], %swap3A_104 {strides = array<i32>} : memref<80x128xf32, #tpu.memory_space<vmem>>, vector<1x16xf32>,
      %scan3A_105 = arith.constant 0 : i32
      scf.yield %scan3A_105 : i32
    }
    %scan3A_6 = arith.constant 80 : i32
    %mul3A = arith.constant 640 : i32
    %mul3A_7 = arith.muli %arg1, %mul3A : i32
    %add3A = arith.constant 0 : i32
    %add3A_8 = arith.addi %mul3A_7, %add3A : i32
    "tpu.region"() ({
      %run_scoped3A = tpu.sem_alloc : memref<!tpu.dma_semaphore, #tpu.memory_space<semaphore_mem>>
      %dma_start3A_64 = arith.constant 0 : i32
      %dma_start3A_65 = tpu.memref_slice %arg10[%add3A_8, %dma_start3A_64] : memref<10240x128xf32, #tpu.memory_space<vmem_shared>> -> memref<80x128xf32, #tpu.memory_space<vmem_shared>>
      %dma_start3A_66 = arith.constant 0 : i32
      %dma_start3A_67 = tpu.memref_slice %arg10[%add3A_8, %dma_start3A_66] : memref<10240x128xf32, #tpu.memory_space<vmem_shared>> -> memref<80x128xf32, #tpu.memory_space<vmem_shared>>
      tpu.enqueue_dma source(%arg8 : memref<80x128xf32, #tpu.memory_space<vmem>>) target(%dma_start3A_67 : memref<80x128xf32, #tpu.memory_space<vmem_shared>>) target_semaphore(%run_scoped3A : memref<!tpu.dma_semaphore, #tpu.memory_space<semaphore_mem>>)
      %dma_wait3A_68 = arith.constant 0 : i32
      %dma_wait3A_69 = tpu.memref_slice %arg10[%add3A_8, %dma_wait3A_68] : memref<10240x128xf32, #tpu.memory_space<vmem_shared>> -> memref<80x128xf32, #tpu.memory_space<vmem_shared>>
      %dma_wait3A_70 = arith.constant 0 : i32
      %dma_wait3A_71 = tpu.memref_slice %arg10[%add3A_8, %dma_wait3A_70] : memref<10240x128xf32, #tpu.memory_space<vmem_shared>> -> memref<80x128xf32, #tpu.memory_space<vmem_shared>>
      tpu.wait_dma2 semaphore(%run_scoped3A : memref<!tpu.dma_semaphore, #tpu.memory_space<semaphore_mem>>) src(%arg8 : memref<80x128xf32, #tpu.memory_space<vmem>>) dst(%dma_wait3A_71 : memref<80x128xf32, #tpu.memory_space<vmem_shared>>)
      tpu.yield
    }) : () -> ()
    %add3A_9 = arith.constant 80 : i32
    %add3A_10 = arith.addi %mul3A_7, %add3A_9 : i32
    "tpu.region"() ({
      %run_scoped3A = tpu.sem_alloc : memref<!tpu.dma_semaphore, #tpu.memory_space<semaphore_mem>>
      %dma_start3A_64 = arith.constant 0 : i32
      %dma_start3A_65 = tpu.memref_slice %arg10[%add3A_10, %dma_start3A_64] : memref<10240x128xf32, #tpu.memory_space<vmem_shared>> -> memref<80x128xf32, #tpu.memory_space<vmem_shared>>
      %dma_start3A_66 = arith.constant 0 : i32
      %dma_start3A_67 = tpu.memref_slice %arg10[%add3A_10, %dma_start3A_66] : memref<10240x128xf32, #tpu.memory_space<vmem_shared>> -> memref<80x128xf32, #tpu.memory_space<vmem_shared>>
      tpu.enqueue_dma source(%arg8 : memref<80x128xf32, #tpu.memory_space<vmem>>) target(%dma_start3A_67 : memref<80x128xf32, #tpu.memory_space<vmem_shared>>) target_semaphore(%run_scoped3A : memref<!tpu.dma_semaphore, #tpu.memory_space<semaphore_mem>>)
      %dma_wait3A_68 = arith.constant 0 : i32
      %dma_wait3A_69 = tpu.memref_slice %arg10[%add3A_10, %dma_wait3A_68] : memref<10240x128xf32, #tpu.memory_space<vmem_shared>> -> memref<80x128xf32, #tpu.memory_space<vmem_shared>>
      %dma_wait3A_70 = arith.constant 0 : i32
      %dma_wait3A_71 = tpu.memref_slice %arg10[%add3A_10, %dma_wait3A_70] : memref<10240x128xf32, #tpu.memory_space<vmem_shared>> -> memref<80x128xf32, #tpu.memory_space<vmem_shared>>
      tpu.wait_dma2 semaphore(%run_scoped3A : memref<!tpu.dma_semaphore, #tpu.memory_space<semaphore_mem>>) src(%arg8 : memref<80x128xf32, #tpu.memory_space<vmem>>) dst(%dma_wait3A_71 : memref<80x128xf32, #tpu.memory_space<vmem_shared>>)
      tpu.yield
    }) : () -> ()
    %add3A_11 = arith.constant 160 : i32
    %add3A_12 = arith.addi %mul3A_7, %add3A_11 : i32
    "tpu.region"() ({
      %run_scoped3A = tpu.sem_alloc : memref<!tpu.dma_semaphore, #tpu.memory_space<semaphore_mem>>
      %dma_start3A_64 = arith.constant 0 : i32
      %dma_start3A_65 = tpu.memref_slice %arg10[%add3A_12, %dma_start3A_64] : memref<10240x128xf32, #tpu.memory_space<vmem_shared>> -> memref<80x128xf32, #tpu.memory_space<vmem_shared>>
      %dma_start3A_66 = arith.constant 0 : i32
      %dma_start3A_67 = tpu.memref_slice %arg10[%add3A_12, %dma_start3A_66] : memref<10240x128xf32, #tpu.memory_space<vmem_shared>> -> memref<80x128xf32, #tpu.memory_space<vmem_shared>>
      tpu.enqueue_dma source(%arg8 : memref<80x128xf32, #tpu.memory_space<vmem>>) target(%dma_start3A_67 : memref<80x128xf32, #tpu.memory_space<vmem_shared>>) target_semaphore(%run_scoped3A : memref<!tpu.dma_semaphore, #tpu.memory_space<semaphore_mem>>)
      %dma_wait3A_68 = arith.constant 0 : i32
      %dma_wait3A_69 = tpu.memref_slice %arg10[%add3A_12, %dma_wait3A_68] : memref<10240x128xf32, #tpu.memory_space<vmem_shared>> -> memref<80x128xf32, #tpu.memory_space<vmem_shared>>
      %dma_wait3A_70 = arith.constant 0 : i32
      %dma_wait3A_71 = tpu.memref_slice %arg10[%add3A_12, %dma_wait3A_70] : memref<10240x128xf32, #tpu.memory_space<vmem_shared>> -> memref<80x128xf32, #tpu.memory_space<vmem_shared>>
      tpu.wait_dma2 semaphore(%run_scoped3A : memref<!tpu.dma_semaphore, #tpu.memory_space<semaphore_mem>>) src(%arg8 : memref<80x128xf32, #tpu.memory_space<vmem>>) dst(%dma_wait3A_71 : memref<80x128xf32, #tpu.memory_space<vmem_shared>>)
      tpu.yield
    }) : () -> ()
    %add3A_13 = arith.constant 240 : i32
    %add3A_14 = arith.addi %mul3A_7, %add3A_13 : i32
    "tpu.region"() ({
      %run_scoped3A = tpu.sem_alloc : memref<!tpu.dma_semaphore, #tpu.memory_space<semaphore_mem>>
      %dma_start3A_64 = arith.constant 0 : i32
      %dma_start3A_65 = tpu.memref_slice %arg10[%add3A_14, %dma_start3A_64] : memref<10240x128xf32, #tpu.memory_space<vmem_shared>> -> memref<80x128xf32, #tpu.memory_space<vmem_shared>>
      %dma_start3A_66 = arith.constant 0 : i32
      %dma_start3A_67 = tpu.memref_slice %arg10[%add3A_14, %dma_start3A_66] : memref<10240x128xf32, #tpu.memory_space<vmem_shared>> -> memref<80x128xf32, #tpu.memory_space<vmem_shared>>
      tpu.enqueue_dma source(%arg8 : memref<80x128xf32, #tpu.memory_space<vmem>>) target(%dma_start3A_67 : memref<80x128xf32, #tpu.memory_space<vmem_shared>>) target_semaphore(%run_scoped3A : memref<!tpu.dma_semaphore, #tpu.memory_space<semaphore_mem>>)
      %dma_wait3A_68 = arith.constant 0 : i32
      %dma_wait3A_69 = tpu.memref_slice %arg10[%add3A_14, %dma_wait3A_68] : memref<10240x128xf32, #tpu.memory_space<vmem_shared>> -> memref<80x128xf32, #tpu.memory_space<vmem_shared>>
      %dma_wait3A_70 = arith.constant 0 : i32
      %dma_wait3A_71 = tpu.memref_slice %arg10[%add3A_14, %dma_wait3A_70] : memref<10240x128xf32, #tpu.memory_space<vmem_shared>> -> memref<80x128xf32, #tpu.memory_space<vmem_shared>>
      tpu.wait_dma2 semaphore(%run_scoped3A : memref<!tpu.dma_semaphore, #tpu.memory_space<semaphore_mem>>) src(%arg8 : memref<80x128xf32, #tpu.memory_space<vmem>>) dst(%dma_wait3A_71 : memref<80x128xf32, #tpu.memory_space<vmem_shared>>)
      tpu.yield
    }) : () -> ()
    %add3A_15 = arith.constant 320 : i32
    %add3A_16 = arith.addi %mul3A_7, %add3A_15 : i32
    "tpu.region"() ({
      %run_scoped3A = tpu.sem_alloc : memref<!tpu.dma_semaphore, #tpu.memory_space<semaphore_mem>>
      %dma_start3A_64 = arith.constant 0 : i32
      %dma_start3A_65 = tpu.memref_slice %arg10[%add3A_16, %dma_start3A_64] : memref<10240x128xf32, #tpu.memory_space<vmem_shared>> -> memref<80x128xf32, #tpu.memory_space<vmem_shared>>
      %dma_start3A_66 = arith.constant 0 : i32
      %dma_start3A_67 = tpu.memref_slice %arg10[%add3A_16, %dma_start3A_66] : memref<10240x128xf32, #tpu.memory_space<vmem_shared>> -> memref<80x128xf32, #tpu.memory_space<vmem_shared>>
      tpu.enqueue_dma source(%arg8 : memref<80x128xf32, #tpu.memory_space<vmem>>) target(%dma_start3A_67 : memref<80x128xf32, #tpu.memory_space<vmem_shared>>) target_semaphore(%run_scoped3A : memref<!tpu.dma_semaphore, #tpu.memory_space<semaphore_mem>>)
      %dma_wait3A_68 = arith.constant 0 : i32
      %dma_wait3A_69 = tpu.memref_slice %arg10[%add3A_16, %dma_wait3A_68] : memref<10240x128xf32, #tpu.memory_space<vmem_shared>> -> memref<80x128xf32, #tpu.memory_space<vmem_shared>>
      %dma_wait3A_70 = arith.constant 0 : i32
      %dma_wait3A_71 = tpu.memref_slice %arg10[%add3A_16, %dma_wait3A_70] : memref<10240x128xf32, #tpu.memory_space<vmem_shared>> -> memref<80x128xf32, #tpu.memory_space<vmem_shared>>
      tpu.wait_dma2 semaphore(%run_scoped3A : memref<!tpu.dma_semaphore, #tpu.memory_space<semaphore_mem>>) src(%arg8 : memref<80x128xf32, #tpu.memory_space<vmem>>) dst(%dma_wait3A_71 : memref<80x128xf32, #tpu.memory_space<vmem_shared>>)
      tpu.yield
    }) : () -> ()
    %add3A_17 = arith.constant 400 : i32
    %add3A_18 = arith.addi %mul3A_7, %add3A_17 : i32
    "tpu.region"() ({
      %run_scoped3A = tpu.sem_alloc : memref<!tpu.dma_semaphore, #tpu.memory_space<semaphore_mem>>
      %dma_start3A_64 = arith.constant 0 : i32
      %dma_start3A_65 = tpu.memref_slice %arg10[%add3A_18, %dma_start3A_64] : memref<10240x128xf32, #tpu.memory_space<vmem_shared>> -> memref<80x128xf32, #tpu.memory_space<vmem_shared>>
      %dma_start3A_66 = arith.constant 0 : i32
      %dma_start3A_67 = tpu.memref_slice %arg10[%add3A_18, %dma_start3A_66] : memref<10240x128xf32, #tpu.memory_space<vmem_shared>> -> memref<80x128xf32, #tpu.memory_space<vmem_shared>>
      tpu.enqueue_dma source(%arg8 : memref<80x128xf32, #tpu.memory_space<vmem>>) target(%dma_start3A_67 : memref<80x128xf32, #tpu.memory_space<vmem_shared>>) target_semaphore(%run_scoped3A : memref<!tpu.dma_semaphore, #tpu.memory_space<semaphore_mem>>)
      %dma_wait3A_68 = arith.constant 0 : i32
      %dma_wait3A_69 = tpu.memref_slice %arg10[%add3A_18, %dma_wait3A_68] : memref<10240x128xf32, #tpu.memory_space<vmem_shared>> -> memref<80x128xf32, #tpu.memory_space<vmem_shared>>
      %dma_wait3A_70 = arith.constant 0 : i32
      %dma_wait3A_71 = tpu.memref_slice %arg10[%add3A_18, %dma_wait3A_70] : memref<10240x128xf32, #tpu.memory_space<vmem_shared>> -> memref<80x128xf32, #tpu.memory_space<vmem_shared>>
      tpu.wait_dma2 semaphore(%run_scoped3A : memref<!tpu.dma_semaphore, #tpu.memory_space<semaphore_mem>>) src(%arg8 : memref<80x128xf32, #tpu.memory_space<vmem>>) dst(%dma_wait3A_71 : memref<80x128xf32, #tpu.memory_space<vmem_shared>>)
      tpu.yield
    }) : () -> ()
    %add3A_19 = arith.constant 480 : i32
    %add3A_20 = arith.addi %mul3A_7, %add3A_19 : i32
    "tpu.region"() ({
      %run_scoped3A = tpu.sem_alloc : memref<!tpu.dma_semaphore, #tpu.memory_space<semaphore_mem>>
      %dma_start3A_64 = arith.constant 0 : i32
      %dma_start3A_65 = tpu.memref_slice %arg10[%add3A_20, %dma_start3A_64] : memref<10240x128xf32, #tpu.memory_space<vmem_shared>> -> memref<80x128xf32, #tpu.memory_space<vmem_shared>>
      %dma_start3A_66 = arith.constant 0 : i32
      %dma_start3A_67 = tpu.memref_slice %arg10[%add3A_20, %dma_start3A_66] : memref<10240x128xf32, #tpu.memory_space<vmem_shared>> -> memref<80x128xf32, #tpu.memory_space<vmem_shared>>
      tpu.enqueue_dma source(%arg8 : memref<80x128xf32, #tpu.memory_space<vmem>>) target(%dma_start3A_67 : memref<80x128xf32, #tpu.memory_space<vmem_shared>>) target_semaphore(%run_scoped3A : memref<!tpu.dma_semaphore, #tpu.memory_space<semaphore_mem>>)
      %dma_wait3A_68 = arith.constant 0 : i32
      %dma_wait3A_69 = tpu.memref_slice %arg10[%add3A_20, %dma_wait3A_68] : memref<10240x128xf32, #tpu.memory_space<vmem_shared>> -> memref<80x128xf32, #tpu.memory_space<vmem_shared>>
      %dma_wait3A_70 = arith.constant 0 : i32
      %dma_wait3A_71 = tpu.memref_slice %arg10[%add3A_20, %dma_wait3A_70] : memref<10240x128xf32, #tpu.memory_space<vmem_shared>> -> memref<80x128xf32, #tpu.memory_space<vmem_shared>>
      tpu.wait_dma2 semaphore(%run_scoped3A : memref<!tpu.dma_semaphore, #tpu.memory_space<semaphore_mem>>) src(%arg8 : memref<80x128xf32, #tpu.memory_space<vmem>>) dst(%dma_wait3A_71 : memref<80x128xf32, #tpu.memory_space<vmem_shared>>)
      tpu.yield
    }) : () -> ()
    %add3A_21 = arith.constant 560 : i32
    %add3A_22 = arith.addi %mul3A_7, %add3A_21 : i32
    "tpu.region"() ({
      %run_scoped3A = tpu.sem_alloc : memref<!tpu.dma_semaphore, #tpu.memory_space<semaphore_mem>>
      %dma_start3A_64 = arith.constant 0 : i32
      %dma_start3A_65 = tpu.memref_slice %arg10[%add3A_22, %dma_start3A_64] : memref<10240x128xf32, #tpu.memory_space<vmem_shared>> -> memref<80x128xf32, #tpu.memory_space<vmem_shared>>
      %dma_start3A_66 = arith.constant 0 : i32
      %dma_start3A_67 = tpu.memref_slice %arg10[%add3A_22, %dma_start3A_66] : memref<10240x128xf32, #tpu.memory_space<vmem_shared>> -> memref<80x128xf32, #tpu.memory_space<vmem_shared>>
      tpu.enqueue_dma source(%arg8 : memref<80x128xf32, #tpu.memory_space<vmem>>) target(%dma_start3A_67 : memref<80x128xf32, #tpu.memory_space<vmem_shared>>) target_semaphore(%run_scoped3A : memref<!tpu.dma_semaphore, #tpu.memory_space<semaphore_mem>>)
      %dma_wait3A_68 = arith.constant 0 : i32
      %dma_wait3A_69 = tpu.memref_slice %arg10[%add3A_22, %dma_wait3A_68] : memref<10240x128xf32, #tpu.memory_space<vmem_shared>> -> memref<80x128xf32, #tpu.memory_space<vmem_shared>>
      %dma_wait3A_70 = arith.constant 0 : i32
      %dma_wait3A_71 = tpu.memref_slice %arg10[%add3A_22, %dma_wait3A_70] : memref<10240x128xf32, #tpu.memory_space<vmem_shared>> -> memref<80x128xf32, #tpu.memory_space<vmem_shared>>
      tpu.wait_dma2 semaphore(%run_scoped3A : memref<!tpu.dma_semaphore, #tpu.memory_space<semaphore_mem>>) src(%arg8 : memref<80x128xf32, #tpu.memory_space<vmem>>) dst(%dma_wait3A_71 : memref<80x128xf32, #tpu.memory_space<vmem_shared>>)
      tpu.yield
    }) : () -> ()
    %barrier3A = arith.constant 0 : index
    tpu.barrier barrier_id(%barrier3A)
    "tpu.region"() ({
      %run_scoped3A = tpu.sem_alloc : memref<!tpu.dma_semaphore, #tpu.memory_space<semaphore_mem>>
      %dma_start3A_64 = arith.constant 0 : i32
      %dma_start3A_65 = arith.constant 0 : i32
      %dma_start3A_66 = tpu.memref_slice %arg3[%arg0, %arg1, %dma_start3A_64, %dma_start3A_65] : memref<2x16x128x80xi32, #tpu.memory_space<hbm>> -> memref<1x1x64x80xi32, #tpu.memory_space<hbm>>
      %dma_start3A_67 = tpu.memref_squeeze %dma_start3A_66 : memref<1x1x64x80xi32, #tpu.memory_space<hbm>> -> memref<64x80xi32, #tpu.memory_space<hbm>>
      %dma_start3A_68 = arith.constant 0 : i32
      %dma_start3A_69 = arith.constant 0 : i32
      %dma_start3A_70 = tpu.memref_slice %arg3[%arg0, %arg1, %dma_start3A_68, %dma_start3A_69] : memref<2x16x128x80xi32, #tpu.memory_space<hbm>> -> memref<1x1x64x80xi32, #tpu.memory_space<hbm>>
      %dma_start3A_71 = tpu.memref_squeeze %dma_start3A_70 : memref<1x1x64x80xi32, #tpu.memory_space<hbm>> -> memref<64x80xi32, #tpu.memory_space<hbm>>
      tpu.enqueue_dma source(%dma_start3A_71 : memref<64x80xi32, #tpu.memory_space<hbm>>) target(%arg6 : memref<64x80xi32, #tpu.memory_space<vmem>>) target_semaphore(%run_scoped3A : memref<!tpu.dma_semaphore, #tpu.memory_space<semaphore_mem>>)
      %dma_wait3A_72 = arith.constant 0 : i32
      %dma_wait3A_73 = arith.constant 0 : i32
      %dma_wait3A_74 = tpu.memref_slice %arg3[%arg0, %arg1, %dma_wait3A_72, %dma_wait3A_73] : memref<2x16x128x80xi32, #tpu.memory_space<hbm>> -> memref<1x1x64x80xi32, #tpu.memory_space<hbm>>
      %dma_wait3A_75 = tpu.memref_squeeze %dma_wait3A_74 : memref<1x1x64x80xi32, #tpu.memory_space<hbm>> -> memref<64x80xi32, #tpu.memory_space<hbm>>
      %dma_wait3A_76 = arith.constant 0 : i32
      %dma_wait3A_77 = arith.constant 0 : i32
      %dma_wait3A_78 = tpu.memref_slice %arg3[%arg0, %arg1, %dma_wait3A_76, %dma_wait3A_77] : memref<2x16x128x80xi32, #tpu.memory_space<hbm>> -> memref<1x1x64x80xi32, #tpu.memory_space<hbm>>
      %dma_wait3A_79 = tpu.memref_squeeze %dma_wait3A_78 : memref<1x1x64x80xi32, #tpu.memory_space<hbm>> -> memref<64x80xi32, #tpu.memory_space<hbm>>
      tpu.wait_dma2 semaphore(%run_scoped3A : memref<!tpu.dma_semaphore, #tpu.memory_space<semaphore_mem>>) src(%dma_wait3A_79 : memref<64x80xi32, #tpu.memory_space<hbm>>) dst(%arg6 : memref<64x80xi32, #tpu.memory_space<vmem>>)
      tpu.yield
    }) : () -> ()
    "tpu.region"() ({
      %run_scoped3A = tpu.sem_alloc : memref<!tpu.dma_semaphore, #tpu.memory_space<semaphore_mem>>
      %dma_start3A_64 = arith.constant 0 : i32
      %dma_start3A_65 = arith.constant 0 : i32
      %dma_start3A_66 = tpu.memref_slice %arg4[%arg0, %arg1, %dma_start3A_64, %dma_start3A_65] : memref<2x16x128x80xi32, #tpu.memory_space<hbm>> -> memref<1x1x64x80xi32, #tpu.memory_space<hbm>>
      %dma_start3A_67 = tpu.memref_squeeze %dma_start3A_66 : memref<1x1x64x80xi32, #tpu.memory_space<hbm>> -> memref<64x80xi32, #tpu.memory_space<hbm>>
      %dma_start3A_68 = arith.constant 0 : i32
      %dma_start3A_69 = arith.constant 0 : i32
      %dma_start3A_70 = tpu.memref_slice %arg4[%arg0, %arg1, %dma_start3A_68, %dma_start3A_69] : memref<2x16x128x80xi32, #tpu.memory_space<hbm>> -> memref<1x1x64x80xi32, #tpu.memory_space<hbm>>
      %dma_start3A_71 = tpu.memref_squeeze %dma_start3A_70 : memref<1x1x64x80xi32, #tpu.memory_space<hbm>> -> memref<64x80xi32, #tpu.memory_space<hbm>>
      tpu.enqueue_dma source(%dma_start3A_71 : memref<64x80xi32, #tpu.memory_space<hbm>>) target(%arg7 : memref<64x80xi32, #tpu.memory_space<vmem>>) target_semaphore(%run_scoped3A : memref<!tpu.dma_semaphore, #tpu.memory_space<semaphore_mem>>)
      %dma_wait3A_72 = arith.constant 0 : i32
      %dma_wait3A_73 = arith.constant 0 : i32
      %dma_wait3A_74 = tpu.memref_slice %arg4[%arg0, %arg1, %dma_wait3A_72, %dma_wait3A_73] : memref<2x16x128x80xi32, #tpu.memory_space<hbm>> -> memref<1x1x64x80xi32, #tpu.memory_space<hbm>>
      %dma_wait3A_75 = tpu.memref_squeeze %dma_wait3A_74 : memref<1x1x64x80xi32, #tpu.memory_space<hbm>> -> memref<64x80xi32, #tpu.memory_space<hbm>>
      %dma_wait3A_76 = arith.constant 0 : i32
      %dma_wait3A_77 = arith.constant 0 : i32
      %dma_wait3A_78 = tpu.memref_slice %arg4[%arg0, %arg1, %dma_wait3A_76, %dma_wait3A_77] : memref<2x16x128x80xi32, #tpu.memory_space<hbm>> -> memref<1x1x64x80xi32, #tpu.memory_space<hbm>>
      %dma_wait3A_79 = tpu.memref_squeeze %dma_wait3A_78 : memref<1x1x64x80xi32, #tpu.memory_space<hbm>> -> memref<64x80xi32, #tpu.memory_space<hbm>>
      tpu.wait_dma2 semaphore(%run_scoped3A : memref<!tpu.dma_semaphore, #tpu.memory_space<semaphore_mem>>) src(%dma_wait3A_79 : memref<64x80xi32, #tpu.memory_space<hbm>>) dst(%arg7 : memref<64x80xi32, #tpu.memory_space<vmem>>)
      tpu.yield
    }) : () -> ()
    %dma_start3A = arith.constant 0 : i32
    %dma_start3A_23 = arith.constant 0 : i32
    %dma_start3A_24 = tpu.memref_slice %arg6[%dma_start3A, %dma_start3A_23] : memref<64x80xi32, #tpu.memory_space<vmem>> -> memref<1x80xi32, #tpu.memory_space<vmem>>
    %dma_start3A_25 = tpu.memref_squeeze %dma_start3A_24 : memref<1x80xi32, #tpu.memory_space<vmem>> -> memref<80xi32, #tpu.memory_space<vmem>>
    %dma_start3A_26 = arith.constant 0 : i32
    %dma_start3A_27 = arith.constant 0 : i32
    %dma_start3A_28 = tpu.memref_slice %arg2[%dma_start3A_26, %dma_start3A_27] : memref<10000x128xf32, #tpu.memory_space<hbm>> -> memref<10000x128xf32, #tpu.memory_space<hbm>>
    tpu.enqueue_indirect_dma source(%dma_start3A_28 : memref<10000x128xf32, #tpu.memory_space<hbm>>) target(%arg8 : memref<80x128xf32, #tpu.memory_space<vmem>>) offsets(%dma_start3A_25 : memref<80xi32, #tpu.memory_space<vmem>>) semaphore(%arg11 : memref<!tpu.dma_semaphore, #tpu.memory_space<semaphore_mem>>)
    %scan3A_29 = arith.constant 0 : i32
    %scan3A_30 = arith.constant 0 : i32
    %scan3A_31 = arith.constant 32 : i32
    %scan3A_32 = arith.addi %scan3A_30, %scan3A_31 : i32
    %scan3A_33 = arith.constant 1 : i32
    %scan3A_34 = scf.for %scan3A_64 = %scan3A_30 to %scan3A_32 step %scan3A_33 iter_args(%scan3A_65 = %scan3A_29) -> (i32)  : i32 {
      %mul3A_66 = arith.constant 2 : i32
      %mul3A_67 = arith.muli %mul3A_66, %scan3A_64 : i32
      %dma_wait3A_68 = arith.constant 0 : i32
      %dma_wait3A_69 = arith.constant 0 : i32
      %dma_wait3A_70 = tpu.memref_slice %arg6[%dma_wait3A_68, %dma_wait3A_69] : memref<64x80xi32, #tpu.memory_space<vmem>> -> memref<1x80xi32, #tpu.memory_space<vmem>>
      %dma_wait3A_71 = tpu.memref_squeeze %dma_wait3A_70 : memref<1x80xi32, #tpu.memory_space<vmem>> -> memref<80xi32, #tpu.memory_space<vmem>>
      %dma_wait3A_72 = arith.constant 0 : i32
      %dma_wait3A_73 = arith.constant 0 : i32
      %dma_wait3A_74 = tpu.memref_slice %arg2[%dma_wait3A_72, %dma_wait3A_73] : memref<10000x128xf32, #tpu.memory_space<hbm>> -> memref<10000x128xf32, #tpu.memory_space<hbm>>
      tpu.wait_indirect_dma semaphore(%arg11 : memref<!tpu.dma_semaphore, #tpu.memory_space<semaphore_mem>>) src(%dma_wait3A_74 : memref<10000x128xf32, #tpu.memory_space<hbm>>) dst(%arg8 : memref<80x128xf32, #tpu.memory_space<vmem>>)
      %add3A_75 = arith.constant 1 : i32
      %add3A_76 = arith.addi %mul3A_67, %add3A_75 : i32
      %dma_start3A_77 = arith.constant 0 : i32
      %dma_start3A_78 = tpu.memref_slice %arg6[%add3A_76, %dma_start3A_77] : memref<64x80xi32, #tpu.memory_space<vmem>> -> memref<1x80xi32, #tpu.memory_space<vmem>>
      %dma_start3A_79 = tpu.memref_squeeze %dma_start3A_78 : memref<1x80xi32, #tpu.memory_space<vmem>> -> memref<80xi32, #tpu.memory_space<vmem>>
      %dma_start3A_80 = arith.constant 0 : i32
      %dma_start3A_81 = arith.constant 0 : i32
      %dma_start3A_82 = tpu.memref_slice %arg2[%dma_start3A_80, %dma_start3A_81] : memref<10000x128xf32, #tpu.memory_space<hbm>> -> memref<10000x128xf32, #tpu.memory_space<hbm>>
      tpu.enqueue_indirect_dma source(%dma_start3A_82 : memref<10000x128xf32, #tpu.memory_space<hbm>>) target(%arg9 : memref<80x128xf32, #tpu.memory_space<vmem>>) offsets(%dma_start3A_79 : memref<80xi32, #tpu.memory_space<vmem>>) semaphore(%arg11 : memref<!tpu.dma_semaphore, #tpu.memory_space<semaphore_mem>>)
      "tpu.region"() ({
        %run_scoped3A = tpu.sem_alloc : memref<!tpu.dma_semaphore, #tpu.memory_space<semaphore_mem>>
        %dma_start3A_102 = arith.constant 0 : i32
        %dma_start3A_103 = tpu.memref_slice %arg7[%mul3A_67, %dma_start3A_102] : memref<64x80xi32, #tpu.memory_space<vmem>> -> memref<1x80xi32, #tpu.memory_space<vmem>>
        %dma_start3A_104 = tpu.memref_squeeze %dma_start3A_103 : memref<1x80xi32, #tpu.memory_space<vmem>> -> memref<80xi32, #tpu.memory_space<vmem>>
        %dma_start3A_105 = arith.constant 0 : i32
        %dma_start3A_106 = arith.constant 0 : i32
        %dma_start3A_107 = tpu.memref_slice %arg10[%dma_start3A_105, %dma_start3A_106] : memref<10240x128xf32, #tpu.memory_space<vmem_shared>> -> memref<10240x128xf32, #tpu.memory_space<vmem_shared>>
        tpu.enqueue_indirect_dma source(%arg8 : memref<80x128xf32, #tpu.memory_space<vmem>>) target(%dma_start3A_107 : memref<10240x128xf32, #tpu.memory_space<vmem_shared>>) offsets(%dma_start3A_104 : memref<80xi32, #tpu.memory_space<vmem>>) semaphore(%run_scoped3A : memref<!tpu.dma_semaphore, #tpu.memory_space<semaphore_mem>>) {add = true}
        %dma_wait3A_108 = arith.constant 0 : i32
        %dma_wait3A_109 = tpu.memref_slice %arg7[%mul3A_67, %dma_wait3A_108] : memref<64x80xi32, #tpu.memory_space<vmem>> -> memref<1x80xi32, #tpu.memory_space<vmem>>
        %dma_wait3A_110 = tpu.memref_squeeze %dma_wait3A_109 : memref<1x80xi32, #tpu.memory_space<vmem>> -> memref<80xi32, #tpu.memory_space<vmem>>
        %dma_wait3A_111 = arith.constant 0 : i32
        %dma_wait3A_112 = arith.constant 0 : i32
        %dma_wait3A_113 = tpu.memref_slice %arg10[%dma_wait3A_111, %dma_wait3A_112] : memref<10240x128xf32, #tpu.memory_space<vmem_shared>> -> memref<10240x128xf32, #tpu.memory_space<vmem_shared>>
        tpu.wait_indirect_dma semaphore(%run_scoped3A : memref<!tpu.dma_semaphore, #tpu.memory_space<semaphore_mem>>) src(%arg8 : memref<80x128xf32, #tpu.memory_space<vmem>>) dst(%dma_wait3A_113 : memref<10240x128xf32, #tpu.memory_space<vmem_shared>>)
        tpu.yield
      }) : () -> ()
      %dma_wait3A_83 = arith.constant 0 : i32
      %dma_wait3A_84 = arith.constant 0 : i32
      %dma_wait3A_85 = tpu.memref_slice %arg6[%dma_wait3A_83, %dma_wait3A_84] : memref<64x80xi32, #tpu.memory_space<vmem>> -> memref<1x80xi32, #tpu.memory_space<vmem>>
      %dma_wait3A_86 = tpu.memref_squeeze %dma_wait3A_85 : memref<1x80xi32, #tpu.memory_space<vmem>> -> memref<80xi32, #tpu.memory_space<vmem>>
      %dma_wait3A_87 = arith.constant 0 : i32
      %dma_wait3A_88 = arith.constant 0 : i32
      %dma_wait3A_89 = tpu.memref_slice %arg2[%dma_wait3A_87, %dma_wait3A_88] : memref<10000x128xf32, #tpu.memory_space<hbm>> -> memref<10000x128xf32, #tpu.memory_space<hbm>>
      tpu.wait_indirect_dma semaphore(%arg11 : memref<!tpu.dma_semaphore, #tpu.memory_space<semaphore_mem>>) src(%dma_wait3A_89 : memref<10000x128xf32, #tpu.memory_space<hbm>>) dst(%arg9 : memref<80x128xf32, #tpu.memory_space<vmem>>)
      %add3A_90 = arith.constant 2 : i32
      %add3A_91 = arith.addi %mul3A_67, %add3A_90 : i32
      %min3A = arith.constant 63 : i32
      %min3A_92 = arith.minsi %add3A_91, %min3A : i32
      %dma_start3A_93 = arith.constant 0 : i32
      %dma_start3A_94 = tpu.memref_slice %arg6[%min3A_92, %dma_start3A_93] : memref<64x80xi32, #tpu.memory_space<vmem>> -> memref<1x80xi32, #tpu.memory_space<vmem>>
      %dma_start3A_95 = tpu.memref_squeeze %dma_start3A_94 : memref<1x80xi32, #tpu.memory_space<vmem>> -> memref<80xi32, #tpu.memory_space<vmem>>
      %dma_start3A_96 = arith.constant 0 : i32
      %dma_start3A_97 = arith.constant 0 : i32
      %dma_start3A_98 = tpu.memref_slice %arg2[%dma_start3A_96, %dma_start3A_97] : memref<10000x128xf32, #tpu.memory_space<hbm>> -> memref<10000x128xf32, #tpu.memory_space<hbm>>
      tpu.enqueue_indirect_dma source(%dma_start3A_98 : memref<10000x128xf32, #tpu.memory_space<hbm>>) target(%arg8 : memref<80x128xf32, #tpu.memory_space<vmem>>) offsets(%dma_start3A_95 : memref<80xi32, #tpu.memory_space<vmem>>) semaphore(%arg11 : memref<!tpu.dma_semaphore, #tpu.memory_space<semaphore_mem>>)
      %add3A_99 = arith.constant 1 : i32
      %add3A_100 = arith.addi %mul3A_67, %add3A_99 : i32
      "tpu.region"() ({
        %run_scoped3A = tpu.sem_alloc : memref<!tpu.dma_semaphore, #tpu.memory_space<semaphore_mem>>
        %dma_start3A_102 = arith.constant 0 : i32
        %dma_start3A_103 = tpu.memref_slice %arg7[%add3A_100, %dma_start3A_102] : memref<64x80xi32, #tpu.memory_space<vmem>> -> memref<1x80xi32, #tpu.memory_space<vmem>>
        %dma_start3A_104 = tpu.memref_squeeze %dma_start3A_103 : memref<1x80xi32, #tpu.memory_space<vmem>> -> memref<80xi32, #tpu.memory_space<vmem>>
        %dma_start3A_105 = arith.constant 0 : i32
        %dma_start3A_106 = arith.constant 0 : i32
        %dma_start3A_107 = tpu.memref_slice %arg10[%dma_start3A_105, %dma_start3A_106] : memref<10240x128xf32, #tpu.memory_space<vmem_shared>> -> memref<10240x128xf32, #tpu.memory_space<vmem_shared>>
        tpu.enqueue_indirect_dma source(%arg9 : memref<80x128xf32, #tpu.memory_space<vmem>>) target(%dma_start3A_107 : memref<10240x128xf32, #tpu.memory_space<vmem_shared>>) offsets(%dma_start3A_104 : memref<80xi32, #tpu.memory_space<vmem>>) semaphore(%run_scoped3A : memref<!tpu.dma_semaphore, #tpu.memory_space<semaphore_mem>>) {add = true}
        %dma_wait3A_108 = arith.constant 0 : i32
        %dma_wait3A_109 = tpu.memref_slice %arg7[%add3A_100, %dma_wait3A_108] : memref<64x80xi32, #tpu.memory_space<vmem>> -> memref<1x80xi32, #tpu.memory_space<vmem>>
        %dma_wait3A_110 = tpu.memref_squeeze %dma_wait3A_109 : memref<1x80xi32, #tpu.memory_space<vmem>> -> memref<80xi32, #tpu.memory_space<vmem>>
        %dma_wait3A_111 = arith.constant 0 : i32
        %dma_wait3A_112 = arith.constant 0 : i32
        %dma_wait3A_113 = tpu.memref_slice %arg10[%dma_wait3A_111, %dma_wait3A_112] : memref<10240x128xf32, #tpu.memory_space<vmem_shared>> -> memref<10240x128xf32, #tpu.memory_space<vmem_shared>>
        tpu.wait_indirect_dma semaphore(%run_scoped3A : memref<!tpu.dma_semaphore, #tpu.memory_space<semaphore_mem>>) src(%arg9 : memref<80x128xf32, #tpu.memory_space<vmem>>) dst(%dma_wait3A_113 : memref<10240x128xf32, #tpu.memory_space<vmem_shared>>)
        tpu.yield
      }) : () -> ()
      %scan3A_101 = arith.constant 0 : i32
      scf.yield %scan3A_101 : i32
    }
    %scan3A_35 = arith.constant 32 : i32
    %dma_wait3A = arith.constant 0 : i32
    %dma_wait3A_36 = arith.constant 0 : i32
    %dma_wait3A_37 = tpu.memref_slice %arg6[%dma_wait3A, %dma_wait3A_36] : memref<64x80xi32, #tpu.memory_space<vmem>> -> memref<1x80xi32, #tpu.memory_space<vmem>>
    %dma_wait3A_38 = tpu.memref_squeeze %dma_wait3A_37 : memref<1x80xi32, #tpu.memory_space<vmem>> -> memref<80xi32, #tpu.memory_space<vmem>>
    %dma_wait3A_39 = arith.constant 0 : i32
    %dma_wait3A_40 = arith.constant 0 : i32
    %dma_wait3A_41 = tpu.memref_slice %arg2[%dma_wait3A_39, %dma_wait3A_40] : memref<10000x128xf32, #tpu.memory_space<hbm>> -> memref<10000x128xf32, #tpu.memory_space<hbm>>
    tpu.wait_indirect_dma semaphore(%arg11 : memref<!tpu.dma_semaphore, #tpu.memory_space<semaphore_mem>>) src(%dma_wait3A_41 : memref<10000x128xf32, #tpu.memory_space<hbm>>) dst(%arg8 : memref<80x128xf32, #tpu.memory_space<vmem>>)
    "tpu.region"() ({
      %run_scoped3A = tpu.sem_alloc : memref<!tpu.dma_semaphore, #tpu.memory_space<semaphore_mem>>
      %dma_start3A_64 = arith.constant 64 : i32
      %dma_start3A_65 = arith.constant 0 : i32
      %dma_start3A_66 = tpu.memref_slice %arg3[%arg0, %arg1, %dma_start3A_64, %dma_start3A_65] : memref<2x16x128x80xi32, #tpu.memory_space<hbm>> -> memref<1x1x64x80xi32, #tpu.memory_space<hbm>>
      %dma_start3A_67 = tpu.memref_squeeze %dma_start3A_66 : memref<1x1x64x80xi32, #tpu.memory_space<hbm>> -> memref<64x80xi32, #tpu.memory_space<hbm>>
      %dma_start3A_68 = arith.constant 64 : i32
      %dma_start3A_69 = arith.constant 0 : i32
      %dma_start3A_70 = tpu.memref_slice %arg3[%arg0, %arg1, %dma_start3A_68, %dma_start3A_69] : memref<2x16x128x80xi32, #tpu.memory_space<hbm>> -> memref<1x1x64x80xi32, #tpu.memory_space<hbm>>
      %dma_start3A_71 = tpu.memref_squeeze %dma_start3A_70 : memref<1x1x64x80xi32, #tpu.memory_space<hbm>> -> memref<64x80xi32, #tpu.memory_space<hbm>>
      tpu.enqueue_dma source(%dma_start3A_71 : memref<64x80xi32, #tpu.memory_space<hbm>>) target(%arg6 : memref<64x80xi32, #tpu.memory_space<vmem>>) target_semaphore(%run_scoped3A : memref<!tpu.dma_semaphore, #tpu.memory_space<semaphore_mem>>)
      %dma_wait3A_72 = arith.constant 64 : i32
      %dma_wait3A_73 = arith.constant 0 : i32
      %dma_wait3A_74 = tpu.memref_slice %arg3[%arg0, %arg1, %dma_wait3A_72, %dma_wait3A_73] : memref<2x16x128x80xi32, #tpu.memory_space<hbm>> -> memref<1x1x64x80xi32, #tpu.memory_space<hbm>>
      %dma_wait3A_75 = tpu.memref_squeeze %dma_wait3A_74 : memref<1x1x64x80xi32, #tpu.memory_space<hbm>> -> memref<64x80xi32, #tpu.memory_space<hbm>>
      %dma_wait3A_76 = arith.constant 64 : i32
      %dma_wait3A_77 = arith.constant 0 : i32
      %dma_wait3A_78 = tpu.memref_slice %arg3[%arg0, %arg1, %dma_wait3A_76, %dma_wait3A_77] : memref<2x16x128x80xi32, #tpu.memory_space<hbm>> -> memref<1x1x64x80xi32, #tpu.memory_space<hbm>>
      %dma_wait3A_79 = tpu.memref_squeeze %dma_wait3A_78 : memref<1x1x64x80xi32, #tpu.memory_space<hbm>> -> memref<64x80xi32, #tpu.memory_space<hbm>>
      tpu.wait_dma2 semaphore(%run_scoped3A : memref<!tpu.dma_semaphore, #tpu.memory_space<semaphore_mem>>) src(%dma_wait3A_79 : memref<64x80xi32, #tpu.memory_space<hbm>>) dst(%arg6 : memref<64x80xi32, #tpu.memory_space<vmem>>)
      tpu.yield
    }) : () -> ()
    "tpu.region"() ({
      %run_scoped3A = tpu.sem_alloc : memref<!tpu.dma_semaphore, #tpu.memory_space<semaphore_mem>>
      %dma_start3A_64 = arith.constant 64 : i32
      %dma_start3A_65 = arith.constant 0 : i32
      %dma_start3A_66 = tpu.memref_slice %arg4[%arg0, %arg1, %dma_start3A_64, %dma_start3A_65] : memref<2x16x128x80xi32, #tpu.memory_space<hbm>> -> memref<1x1x64x80xi32, #tpu.memory_space<hbm>>
      %dma_start3A_67 = tpu.memref_squeeze %dma_start3A_66 : memref<1x1x64x80xi32, #tpu.memory_space<hbm>> -> memref<64x80xi32, #tpu.memory_space<hbm>>
      %dma_start3A_68 = arith.constant 64 : i32
      %dma_start3A_69 = arith.constant 0 : i32
      %dma_start3A_70 = tpu.memref_slice %arg4[%arg0, %arg1, %dma_start3A_68, %dma_start3A_69] : memref<2x16x128x80xi32, #tpu.memory_space<hbm>> -> memref<1x1x64x80xi32, #tpu.memory_space<hbm>>
      %dma_start3A_71 = tpu.memref_squeeze %dma_start3A_70 : memref<1x1x64x80xi32, #tpu.memory_space<hbm>> -> memref<64x80xi32, #tpu.memory_space<hbm>>
      tpu.enqueue_dma source(%dma_start3A_71 : memref<64x80xi32, #tpu.memory_space<hbm>>) target(%arg7 : memref<64x80xi32, #tpu.memory_space<vmem>>) target_semaphore(%run_scoped3A : memref<!tpu.dma_semaphore, #tpu.memory_space<semaphore_mem>>)
      %dma_wait3A_72 = arith.constant 64 : i32
      %dma_wait3A_73 = arith.constant 0 : i32
      %dma_wait3A_74 = tpu.memref_slice %arg4[%arg0, %arg1, %dma_wait3A_72, %dma_wait3A_73] : memref<2x16x128x80xi32, #tpu.memory_space<hbm>> -> memref<1x1x64x80xi32, #tpu.memory_space<hbm>>
      %dma_wait3A_75 = tpu.memref_squeeze %dma_wait3A_74 : memref<1x1x64x80xi32, #tpu.memory_space<hbm>> -> memref<64x80xi32, #tpu.memory_space<hbm>>
      %dma_wait3A_76 = arith.constant 64 : i32
      %dma_wait3A_77 = arith.constant 0 : i32
      %dma_wait3A_78 = tpu.memref_slice %arg4[%arg0, %arg1, %dma_wait3A_76, %dma_wait3A_77] : memref<2x16x128x80xi32, #tpu.memory_space<hbm>> -> memref<1x1x64x80xi32, #tpu.memory_space<hbm>>
      %dma_wait3A_79 = tpu.memref_squeeze %dma_wait3A_78 : memref<1x1x64x80xi32, #tpu.memory_space<hbm>> -> memref<64x80xi32, #tpu.memory_space<hbm>>
      tpu.wait_dma2 semaphore(%run_scoped3A : memref<!tpu.dma_semaphore, #tpu.memory_space<semaphore_mem>>) src(%dma_wait3A_79 : memref<64x80xi32, #tpu.memory_space<hbm>>) dst(%arg7 : memref<64x80xi32, #tpu.memory_space<vmem>>)
      tpu.yield
    }) : () -> ()
    %dma_start3A_42 = arith.constant 0 : i32
    %dma_start3A_43 = arith.constant 0 : i32
    %dma_start3A_44 = tpu.memref_slice %arg6[%dma_start3A_42, %dma_start3A_43] : memref<64x80xi32, #tpu.memory_space<vmem>> -> memref<1x80xi32, #tpu.memory_space<vmem>>
    %dma_start3A_45 = tpu.memref_squeeze %dma_start3A_44 : memref<1x80xi32, #tpu.memory_space<vmem>> -> memref<80xi32, #tpu.memory_space<vmem>>
    %dma_start3A_46 = arith.constant 0 : i32
    %dma_start3A_47 = arith.constant 0 : i32
    %dma_start3A_48 = tpu.memref_slice %arg2[%dma_start3A_46, %dma_start3A_47] : memref<10000x128xf32, #tpu.memory_space<hbm>> -> memref<10000x128xf32, #tpu.memory_space<hbm>>
    tpu.enqueue_indirect_dma source(%dma_start3A_48 : memref<10000x128xf32, #tpu.memory_space<hbm>>) target(%arg8 : memref<80x128xf32, #tpu.memory_space<vmem>>) offsets(%dma_start3A_45 : memref<80xi32, #tpu.memory_space<vmem>>) semaphore(%arg11 : memref<!tpu.dma_semaphore, #tpu.memory_space<semaphore_mem>>)
    %scan3A_49 = arith.constant 0 : i32
    %scan3A_50 = arith.constant 0 : i32
    %scan3A_51 = arith.constant 32 : i32
    %scan3A_52 = arith.addi %scan3A_50, %scan3A_51 : i32
    %scan3A_53 = arith.constant 1 : i32
    %scan3A_54 = scf.for %scan3A_64 = %scan3A_50 to %scan3A_52 step %scan3A_53 iter_args(%scan3A_65 = %scan3A_49) -> (i32)  : i32 {
      %mul3A_66 = arith.constant 2 : i32
      %mul3A_67 = arith.muli %mul3A_66, %scan3A_64 : i32
      %dma_wait3A_68 = arith.constant 0 : i32
      %dma_wait3A_69 = arith.constant 0 : i32
      %dma_wait3A_70 = tpu.memref_slice %arg6[%dma_wait3A_68, %dma_wait3A_69] : memref<64x80xi32, #tpu.memory_space<vmem>> -> memref<1x80xi32, #tpu.memory_space<vmem>>
      %dma_wait3A_71 = tpu.memref_squeeze %dma_wait3A_70 : memref<1x80xi32, #tpu.memory_space<vmem>> -> memref<80xi32, #tpu.memory_space<vmem>>
      %dma_wait3A_72 = arith.constant 0 : i32
      %dma_wait3A_73 = arith.constant 0 : i32
      %dma_wait3A_74 = tpu.memref_slice %arg2[%dma_wait3A_72, %dma_wait3A_73] : memref<10000x128xf32, #tpu.memory_space<hbm>> -> memref<10000x128xf32, #tpu.memory_space<hbm>>
      tpu.wait_indirect_dma semaphore(%arg11 : memref<!tpu.dma_semaphore, #tpu.memory_space<semaphore_mem>>) src(%dma_wait3A_74 : memref<10000x128xf32, #tpu.memory_space<hbm>>) dst(%arg8 : memref<80x128xf32, #tpu.memory_space<vmem>>)
      %add3A_75 = arith.constant 1 : i32
      %add3A_76 = arith.addi %mul3A_67, %add3A_75 : i32
      %dma_start3A_77 = arith.constant 0 : i32
      %dma_start3A_78 = tpu.memref_slice %arg6[%add3A_76, %dma_start3A_77] : memref<64x80xi32, #tpu.memory_space<vmem>> -> memref<1x80xi32, #tpu.memory_space<vmem>>
      %dma_start3A_79 = tpu.memref_squeeze %dma_start3A_78 : memref<1x80xi32, #tpu.memory_space<vmem>> -> memref<80xi32, #tpu.memory_space<vmem>>
      %dma_start3A_80 = arith.constant 0 : i32
      %dma_start3A_81 = arith.constant 0 : i32
      %dma_start3A_82 = tpu.memref_slice %arg2[%dma_start3A_80, %dma_start3A_81] : memref<10000x128xf32, #tpu.memory_space<hbm>> -> memref<10000x128xf32, #tpu.memory_space<hbm>>
      tpu.enqueue_indirect_dma source(%dma_start3A_82 : memref<10000x128xf32, #tpu.memory_space<hbm>>) target(%arg9 : memref<80x128xf32, #tpu.memory_space<vmem>>) offsets(%dma_start3A_79 : memref<80xi32, #tpu.memory_space<vmem>>) semaphore(%arg11 : memref<!tpu.dma_semaphore, #tpu.memory_space<semaphore_mem>>)
      "tpu.region"() ({
        %run_scoped3A = tpu.sem_alloc : memref<!tpu.dma_semaphore, #tpu.memory_space<semaphore_mem>>
        %dma_start3A_102 = arith.constant 0 : i32
        %dma_start3A_103 = tpu.memref_slice %arg7[%mul3A_67, %dma_start3A_102] : memref<64x80xi32, #tpu.memory_space<vmem>> -> memref<1x80xi32, #tpu.memory_space<vmem>>
        %dma_start3A_104 = tpu.memref_squeeze %dma_start3A_103 : memref<1x80xi32, #tpu.memory_space<vmem>> -> memref<80xi32, #tpu.memory_space<vmem>>
        %dma_start3A_105 = arith.constant 0 : i32
        %dma_start3A_106 = arith.constant 0 : i32
        %dma_start3A_107 = tpu.memref_slice %arg10[%dma_start3A_105, %dma_start3A_106] : memref<10240x128xf32, #tpu.memory_space<vmem_shared>> -> memref<10240x128xf32, #tpu.memory_space<vmem_shared>>
        tpu.enqueue_indirect_dma source(%arg8 : memref<80x128xf32, #tpu.memory_space<vmem>>) target(%dma_start3A_107 : memref<10240x128xf32, #tpu.memory_space<vmem_shared>>) offsets(%dma_start3A_104 : memref<80xi32, #tpu.memory_space<vmem>>) semaphore(%run_scoped3A : memref<!tpu.dma_semaphore, #tpu.memory_space<semaphore_mem>>) {add = true}
        %dma_wait3A_108 = arith.constant 0 : i32
        %dma_wait3A_109 = tpu.memref_slice %arg7[%mul3A_67, %dma_wait3A_108] : memref<64x80xi32, #tpu.memory_space<vmem>> -> memref<1x80xi32, #tpu.memory_space<vmem>>
        %dma_wait3A_110 = tpu.memref_squeeze %dma_wait3A_109 : memref<1x80xi32, #tpu.memory_space<vmem>> -> memref<80xi32, #tpu.memory_space<vmem>>
        %dma_wait3A_111 = arith.constant 0 : i32
        %dma_wait3A_112 = arith.constant 0 : i32
        %dma_wait3A_113 = tpu.memref_slice %arg10[%dma_wait3A_111, %dma_wait3A_112] : memref<10240x128xf32, #tpu.memory_space<vmem_shared>> -> memref<10240x128xf32, #tpu.memory_space<vmem_shared>>
        tpu.wait_indirect_dma semaphore(%run_scoped3A : memref<!tpu.dma_semaphore, #tpu.memory_space<semaphore_mem>>) src(%arg8 : memref<80x128xf32, #tpu.memory_space<vmem>>) dst(%dma_wait3A_113 : memref<10240x128xf32, #tpu.memory_space<vmem_shared>>)
        tpu.yield
      }) : () -> ()
      %dma_wait3A_83 = arith.constant 0 : i32
      %dma_wait3A_84 = arith.constant 0 : i32
      %dma_wait3A_85 = tpu.memref_slice %arg6[%dma_wait3A_83, %dma_wait3A_84] : memref<64x80xi32, #tpu.memory_space<vmem>> -> memref<1x80xi32, #tpu.memory_space<vmem>>
      %dma_wait3A_86 = tpu.memref_squeeze %dma_wait3A_85 : memref<1x80xi32, #tpu.memory_space<vmem>> -> memref<80xi32, #tpu.memory_space<vmem>>
      %dma_wait3A_87 = arith.constant 0 : i32
      %dma_wait3A_88 = arith.constant 0 : i32
      %dma_wait3A_89 = tpu.memref_slice %arg2[%dma_wait3A_87, %dma_wait3A_88] : memref<10000x128xf32, #tpu.memory_space<hbm>> -> memref<10000x128xf32, #tpu.memory_space<hbm>>
      tpu.wait_indirect_dma semaphore(%arg11 : memref<!tpu.dma_semaphore, #tpu.memory_space<semaphore_mem>>) src(%dma_wait3A_89 : memref<10000x128xf32, #tpu.memory_space<hbm>>) dst(%arg9 : memref<80x128xf32, #tpu.memory_space<vmem>>)
      %add3A_90 = arith.constant 2 : i32
      %add3A_91 = arith.addi %mul3A_67, %add3A_90 : i32
      %min3A = arith.constant 63 : i32
      %min3A_92 = arith.minsi %add3A_91, %min3A : i32
      %dma_start3A_93 = arith.constant 0 : i32
      %dma_start3A_94 = tpu.memref_slice %arg6[%min3A_92, %dma_start3A_93] : memref<64x80xi32, #tpu.memory_space<vmem>> -> memref<1x80xi32, #tpu.memory_space<vmem>>
      %dma_start3A_95 = tpu.memref_squeeze %dma_start3A_94 : memref<1x80xi32, #tpu.memory_space<vmem>> -> memref<80xi32, #tpu.memory_space<vmem>>
      %dma_start3A_96 = arith.constant 0 : i32
      %dma_start3A_97 = arith.constant 0 : i32
      %dma_start3A_98 = tpu.memref_slice %arg2[%dma_start3A_96, %dma_start3A_97] : memref<10000x128xf32, #tpu.memory_space<hbm>> -> memref<10000x128xf32, #tpu.memory_space<hbm>>
      tpu.enqueue_indirect_dma source(%dma_start3A_98 : memref<10000x128xf32, #tpu.memory_space<hbm>>) target(%arg8 : memref<80x128xf32, #tpu.memory_space<vmem>>) offsets(%dma_start3A_95 : memref<80xi32, #tpu.memory_space<vmem>>) semaphore(%arg11 : memref<!tpu.dma_semaphore, #tpu.memory_space<semaphore_mem>>)
      %add3A_99 = arith.constant 1 : i32
      %add3A_100 = arith.addi %mul3A_67, %add3A_99 : i32
      "tpu.region"() ({
        %run_scoped3A = tpu.sem_alloc : memref<!tpu.dma_semaphore, #tpu.memory_space<semaphore_mem>>
        %dma_start3A_102 = arith.constant 0 : i32
        %dma_start3A_103 = tpu.memref_slice %arg7[%add3A_100, %dma_start3A_102] : memref<64x80xi32, #tpu.memory_space<vmem>> -> memref<1x80xi32, #tpu.memory_space<vmem>>
        %dma_start3A_104 = tpu.memref_squeeze %dma_start3A_103 : memref<1x80xi32, #tpu.memory_space<vmem>> -> memref<80xi32, #tpu.memory_space<vmem>>
        %dma_start3A_105 = arith.constant 0 : i32
        %dma_start3A_106 = arith.constant 0 : i32
        %dma_start3A_107 = tpu.memref_slice %arg10[%dma_start3A_105, %dma_start3A_106] : memref<10240x128xf32, #tpu.memory_space<vmem_shared>> -> memref<10240x128xf32, #tpu.memory_space<vmem_shared>>
        tpu.enqueue_indirect_dma source(%arg9 : memref<80x128xf32, #tpu.memory_space<vmem>>) target(%dma_start3A_107 : memref<10240x128xf32, #tpu.memory_space<vmem_shared>>) offsets(%dma_start3A_104 : memref<80xi32, #tpu.memory_space<vmem>>) semaphore(%run_scoped3A : memref<!tpu.dma_semaphore, #tpu.memory_space<semaphore_mem>>) {add = true}
        %dma_wait3A_108 = arith.constant 0 : i32
        %dma_wait3A_109 = tpu.memref_slice %arg7[%add3A_100, %dma_wait3A_108] : memref<64x80xi32, #tpu.memory_space<vmem>> -> memref<1x80xi32, #tpu.memory_space<vmem>>
        %dma_wait3A_110 = tpu.memref_squeeze %dma_wait3A_109 : memref<1x80xi32, #tpu.memory_space<vmem>> -> memref<80xi32, #tpu.memory_space<vmem>>
        %dma_wait3A_111 = arith.constant 0 : i32
        %dma_wait3A_112 = arith.constant 0 : i32
        %dma_wait3A_113 = tpu.memref_slice %arg10[%dma_wait3A_111, %dma_wait3A_112] : memref<10240x128xf32, #tpu.memory_space<vmem_shared>> -> memref<10240x128xf32, #tpu.memory_space<vmem_shared>>
        tpu.wait_indirect_dma semaphore(%run_scoped3A : memref<!tpu.dma_semaphore, #tpu.memory_space<semaphore_mem>>) src(%arg9 : memref<80x128xf32, #tpu.memory_space<vmem>>) dst(%dma_wait3A_113 : memref<10240x128xf32, #tpu.memory_space<vmem_shared>>)
        tpu.yield
      }) : () -> ()
      %scan3A_101 = arith.constant 0 : i32
      scf.yield %scan3A_101 : i32
    }
    %scan3A_55 = arith.constant 32 : i32
    %dma_wait3A_56 = arith.constant 0 : i32
    %dma_wait3A_57 = arith.constant 0 : i32
    %dma_wait3A_58 = tpu.memref_slice %arg6[%dma_wait3A_56, %dma_wait3A_57] : memref<64x80xi32, #tpu.memory_space<vmem>> -> memref<1x80xi32, #tpu.memory_space<vmem>>
    %dma_wait3A_59 = tpu.memref_squeeze %dma_wait3A_58 : memref<1x80xi32, #tpu.memory_space<vmem>> -> memref<80xi32, #tpu.memory_space<vmem>>
    %dma_wait3A_60 = arith.constant 0 : i32
    %dma_wait3A_61 = arith.constant 0 : i32
    %dma_wait3A_62 = tpu.memref_slice %arg2[%dma_wait3A_60, %dma_wait3A_61] : memref<10000x128xf32, #tpu.memory_space<hbm>> -> memref<10000x128xf32, #tpu.memory_space<hbm>>
    tpu.wait_indirect_dma semaphore(%arg11 : memref<!tpu.dma_semaphore, #tpu.memory_space<semaphore_mem>>) src(%dma_wait3A_62 : memref<10000x128xf32, #tpu.memory_space<hbm>>) dst(%arg8 : memref<80x128xf32, #tpu.memory_space<vmem>>)
    %barrier3A_63 = arith.constant 0 : index
    tpu.barrier barrier_id(%barrier3A_63)
    "tpu.region"() ({
      %run_scoped3A = tpu.sem_alloc : memref<!tpu.dma_semaphore, #tpu.memory_space<semaphore_mem>>
      %dma_start3A_64 = arith.constant 0 : i32
      %dma_start3A_65 = tpu.memref_slice %arg5[%arg0, %mul3A_7, %dma_start3A_64] : memref<2x10240x128xf32, #tpu.memory_space<hbm>> -> memref<1x640x128xf32, #tpu.memory_space<hbm>>
      %dma_start3A_66 = tpu.memref_squeeze %dma_start3A_65 : memref<1x640x128xf32, #tpu.memory_space<hbm>> -> memref<640x128xf32, #tpu.memory_space<hbm>>
      %dma_start3A_67 = arith.constant 0 : i32
      %dma_start3A_68 = tpu.memref_slice %arg10[%mul3A_7, %dma_start3A_67] : memref<10240x128xf32, #tpu.memory_space<vmem_shared>> -> memref<640x128xf32, #tpu.memory_space<vmem_shared>>
      tpu.enqueue_dma source(%dma_start3A_68 : memref<640x128xf32, #tpu.memory_space<vmem_shared>>) target(%dma_start3A_66 : memref<640x128xf32, #tpu.memory_space<hbm>>) target_semaphore(%run_scoped3A : memref<!tpu.dma_semaphore, #tpu.memory_space<semaphore_mem>>)
      %dma_wait3A_69 = arith.constant 0 : i32
      %dma_wait3A_70 = tpu.memref_slice %arg5[%arg0, %mul3A_7, %dma_wait3A_69] : memref<2x10240x128xf32, #tpu.memory_space<hbm>> -> memref<1x640x128xf32, #tpu.memory_space<hbm>>
      %dma_wait3A_71 = tpu.memref_squeeze %dma_wait3A_70 : memref<1x640x128xf32, #tpu.memory_space<hbm>> -> memref<640x128xf32, #tpu.memory_space<hbm>>
      %dma_wait3A_72 = arith.constant 0 : i32
      %dma_wait3A_73 = tpu.memref_slice %arg10[%mul3A_7, %dma_wait3A_72] : memref<10240x128xf32, #tpu.memory_space<vmem_shared>> -> memref<640x128xf32, #tpu.memory_space<vmem_shared>>
      tpu.wait_dma2 semaphore(%run_scoped3A : memref<!tpu.dma_semaphore, #tpu.memory_space<semaphore_mem>>) src(%dma_wait3A_73 : memref<640x128xf32, #tpu.memory_space<vmem_shared>>) dst(%dma_wait3A_71 : memref<640x128xf32, #tpu.memory_space<hbm>>)
      tpu.yield
    }) : () -> ()
    return
  }
}

#map = affine_map<(d0, d1) -> (0, 0)>
#map1 = affine_map<(d0, d1) -> (0, 0, 0, 0)>
module attributes {stable_mosaic.version = 14 : i64} {
  func.func @_batch_gather(%arg0: i32, %arg1: i32, %arg2: memref<10000x128xf32, #tpu.memory_space<hbm>>, %arg3: memref<2x16x4x80xi32, #tpu.memory_space<hbm>>, %arg4: memref<10240x128xf32, #tpu.memory_space<hbm>>, %arg5: memref<4x80xi32, #tpu.memory_space<vmem>>, %arg6: memref<320x128xf32, #tpu.memory_space<vmem>>) attributes {dimension_semantics = [#tpu.dimension_semantics<core_parallel>, #tpu.dimension_semantics<subcore_parallel>], iteration_bounds = array<i64: 2, 16>, scalar_prefetch = 0 : i64, scratch_operands = 2 : i64, tpu.core_type = #tpu.core_type<sc_vector_subcore>, window_params = [{transform_indices = #map}, {transform_indices = #map1}, {transform_indices = #map}]} {
    %mul3A = arith.constant 16 : i32
    %mul3A_0 = arith.muli %arg0, %mul3A : i32
    %add3A = arith.addi %mul3A_0, %arg1 : i32
    "tpu.region"() ({
      %run_scoped3A_6 = tpu.sem_alloc : memref<!tpu.dma_semaphore, #tpu.memory_space<semaphore_mem>>
      %dma_start3A = arith.constant 0 : i32
      %dma_start3A_7 = arith.constant 0 : i32
      %dma_start3A_8 = tpu.memref_slice %arg3[%arg0, %arg1, %dma_start3A, %dma_start3A_7] : memref<2x16x4x80xi32, #tpu.memory_space<hbm>> -> memref<1x1x4x80xi32, #tpu.memory_space<hbm>>
      %dma_start3A_9 = tpu.memref_squeeze %dma_start3A_8 : memref<1x1x4x80xi32, #tpu.memory_space<hbm>> -> memref<4x80xi32, #tpu.memory_space<hbm>>
      %dma_start3A_10 = arith.constant 0 : i32
      %dma_start3A_11 = arith.constant 0 : i32
      %dma_start3A_12 = tpu.memref_slice %arg3[%arg0, %arg1, %dma_start3A_10, %dma_start3A_11] : memref<2x16x4x80xi32, #tpu.memory_space<hbm>> -> memref<1x1x4x80xi32, #tpu.memory_space<hbm>>
      %dma_start3A_13 = tpu.memref_squeeze %dma_start3A_12 : memref<1x1x4x80xi32, #tpu.memory_space<hbm>> -> memref<4x80xi32, #tpu.memory_space<hbm>>
      tpu.enqueue_dma source(%dma_start3A_13 : memref<4x80xi32, #tpu.memory_space<hbm>>) target(%arg5 : memref<4x80xi32, #tpu.memory_space<vmem>>) target_semaphore(%run_scoped3A_6 : memref<!tpu.dma_semaphore, #tpu.memory_space<semaphore_mem>>)
      %dma_wait3A = arith.constant 0 : i32
      %dma_wait3A_14 = arith.constant 0 : i32
      %dma_wait3A_15 = tpu.memref_slice %arg3[%arg0, %arg1, %dma_wait3A, %dma_wait3A_14] : memref<2x16x4x80xi32, #tpu.memory_space<hbm>> -> memref<1x1x4x80xi32, #tpu.memory_space<hbm>>
      %dma_wait3A_16 = tpu.memref_squeeze %dma_wait3A_15 : memref<1x1x4x80xi32, #tpu.memory_space<hbm>> -> memref<4x80xi32, #tpu.memory_space<hbm>>
      %dma_wait3A_17 = arith.constant 0 : i32
      %dma_wait3A_18 = arith.constant 0 : i32
      %dma_wait3A_19 = tpu.memref_slice %arg3[%arg0, %arg1, %dma_wait3A_17, %dma_wait3A_18] : memref<2x16x4x80xi32, #tpu.memory_space<hbm>> -> memref<1x1x4x80xi32, #tpu.memory_space<hbm>>
      %dma_wait3A_20 = tpu.memref_squeeze %dma_wait3A_19 : memref<1x1x4x80xi32, #tpu.memory_space<hbm>> -> memref<4x80xi32, #tpu.memory_space<hbm>>
      tpu.wait_dma2 semaphore(%run_scoped3A_6 : memref<!tpu.dma_semaphore, #tpu.memory_space<semaphore_mem>>) src(%dma_wait3A_20 : memref<4x80xi32, #tpu.memory_space<hbm>>) dst(%arg5 : memref<4x80xi32, #tpu.memory_space<vmem>>)
      tpu.yield
    }) : () -> ()
    %run_scoped3A = arith.constant 0 : i32
    "tpu.region"() ({
      %run_scoped3A_6 = tpu.sem_alloc : memref<!tpu.dma_semaphore, #tpu.memory_space<semaphore_mem>>
      %dma_start3A = arith.constant 0 : i32
      %dma_start3A_7 = arith.constant 0 : i32
      %dma_start3A_8 = tpu.memref_slice %arg6[%dma_start3A, %dma_start3A_7] : memref<320x128xf32, #tpu.memory_space<vmem>> -> memref<80x128xf32, #tpu.memory_space<vmem>>
      %dma_start3A_9 = arith.constant 0 : i32
      %dma_start3A_10 = tpu.memref_slice %arg5[%run_scoped3A, %dma_start3A_9] : memref<4x80xi32, #tpu.memory_space<vmem>> -> memref<1x80xi32, #tpu.memory_space<vmem>>
      %dma_start3A_11 = tpu.memref_squeeze %dma_start3A_10 : memref<1x80xi32, #tpu.memory_space<vmem>> -> memref<80xi32, #tpu.memory_space<vmem>>
      %dma_start3A_12 = arith.constant 0 : i32
      %dma_start3A_13 = arith.constant 0 : i32
      %dma_start3A_14 = tpu.memref_slice %arg2[%dma_start3A_12, %dma_start3A_13] : memref<10000x128xf32, #tpu.memory_space<hbm>> -> memref<10000x128xf32, #tpu.memory_space<hbm>>
      tpu.enqueue_indirect_dma source(%dma_start3A_14 : memref<10000x128xf32, #tpu.memory_space<hbm>>) target(%dma_start3A_8 : memref<80x128xf32, #tpu.memory_space<vmem>>) offsets(%dma_start3A_11 : memref<80xi32, #tpu.memory_space<vmem>>) semaphore(%run_scoped3A_6 : memref<!tpu.dma_semaphore, #tpu.memory_space<semaphore_mem>>)
      %dma_wait3A = arith.constant 0 : i32
      %dma_wait3A_15 = arith.constant 0 : i32
      %dma_wait3A_16 = tpu.memref_slice %arg6[%dma_wait3A, %dma_wait3A_15] : memref<320x128xf32, #tpu.memory_space<vmem>> -> memref<80x128xf32, #tpu.memory_space<vmem>>
      %dma_wait3A_17 = arith.constant 0 : i32
      %dma_wait3A_18 = tpu.memref_slice %arg5[%run_scoped3A, %dma_wait3A_17] : memref<4x80xi32, #tpu.memory_space<vmem>> -> memref<1x80xi32, #tpu.memory_space<vmem>>
      %dma_wait3A_19 = tpu.memref_squeeze %dma_wait3A_18 : memref<1x80xi32, #tpu.memory_space<vmem>> -> memref<80xi32, #tpu.memory_space<vmem>>
      %dma_wait3A_20 = arith.constant 0 : i32
      %dma_wait3A_21 = arith.constant 0 : i32
      %dma_wait3A_22 = tpu.memref_slice %arg2[%dma_wait3A_20, %dma_wait3A_21] : memref<10000x128xf32, #tpu.memory_space<hbm>> -> memref<10000x128xf32, #tpu.memory_space<hbm>>
      tpu.wait_indirect_dma semaphore(%run_scoped3A_6 : memref<!tpu.dma_semaphore, #tpu.memory_space<semaphore_mem>>) src(%dma_wait3A_22 : memref<10000x128xf32, #tpu.memory_space<hbm>>) dst(%dma_wait3A_16 : memref<80x128xf32, #tpu.memory_space<vmem>>)
      tpu.yield
    }) : () -> ()
    %run_scoped3A_1 = arith.constant 1 : i32
    "tpu.region"() ({
      %run_scoped3A_6 = tpu.sem_alloc : memref<!tpu.dma_semaphore, #tpu.memory_space<semaphore_mem>>
      %dma_start3A = arith.constant 80 : i32
      %dma_start3A_7 = arith.constant 0 : i32
      %dma_start3A_8 = tpu.memref_slice %arg6[%dma_start3A, %dma_start3A_7] : memref<320x128xf32, #tpu.memory_space<vmem>> -> memref<80x128xf32, #tpu.memory_space<vmem>>
      %dma_start3A_9 = arith.constant 0 : i32
      %dma_start3A_10 = tpu.memref_slice %arg5[%run_scoped3A_1, %dma_start3A_9] : memref<4x80xi32, #tpu.memory_space<vmem>> -> memref<1x80xi32, #tpu.memory_space<vmem>>
      %dma_start3A_11 = tpu.memref_squeeze %dma_start3A_10 : memref<1x80xi32, #tpu.memory_space<vmem>> -> memref<80xi32, #tpu.memory_space<vmem>>
      %dma_start3A_12 = arith.constant 0 : i32
      %dma_start3A_13 = arith.constant 0 : i32
      %dma_start3A_14 = tpu.memref_slice %arg2[%dma_start3A_12, %dma_start3A_13] : memref<10000x128xf32, #tpu.memory_space<hbm>> -> memref<10000x128xf32, #tpu.memory_space<hbm>>
      tpu.enqueue_indirect_dma source(%dma_start3A_14 : memref<10000x128xf32, #tpu.memory_space<hbm>>) target(%dma_start3A_8 : memref<80x128xf32, #tpu.memory_space<vmem>>) offsets(%dma_start3A_11 : memref<80xi32, #tpu.memory_space<vmem>>) semaphore(%run_scoped3A_6 : memref<!tpu.dma_semaphore, #tpu.memory_space<semaphore_mem>>)
      %dma_wait3A = arith.constant 80 : i32
      %dma_wait3A_15 = arith.constant 0 : i32
      %dma_wait3A_16 = tpu.memref_slice %arg6[%dma_wait3A, %dma_wait3A_15] : memref<320x128xf32, #tpu.memory_space<vmem>> -> memref<80x128xf32, #tpu.memory_space<vmem>>
      %dma_wait3A_17 = arith.constant 0 : i32
      %dma_wait3A_18 = tpu.memref_slice %arg5[%run_scoped3A_1, %dma_wait3A_17] : memref<4x80xi32, #tpu.memory_space<vmem>> -> memref<1x80xi32, #tpu.memory_space<vmem>>
      %dma_wait3A_19 = tpu.memref_squeeze %dma_wait3A_18 : memref<1x80xi32, #tpu.memory_space<vmem>> -> memref<80xi32, #tpu.memory_space<vmem>>
      %dma_wait3A_20 = arith.constant 0 : i32
      %dma_wait3A_21 = arith.constant 0 : i32
      %dma_wait3A_22 = tpu.memref_slice %arg2[%dma_wait3A_20, %dma_wait3A_21] : memref<10000x128xf32, #tpu.memory_space<hbm>> -> memref<10000x128xf32, #tpu.memory_space<hbm>>
      tpu.wait_indirect_dma semaphore(%run_scoped3A_6 : memref<!tpu.dma_semaphore, #tpu.memory_space<semaphore_mem>>) src(%dma_wait3A_22 : memref<10000x128xf32, #tpu.memory_space<hbm>>) dst(%dma_wait3A_16 : memref<80x128xf32, #tpu.memory_space<vmem>>)
      tpu.yield
    }) : () -> ()
    %run_scoped3A_2 = arith.constant 2 : i32
    "tpu.region"() ({
      %run_scoped3A_6 = tpu.sem_alloc : memref<!tpu.dma_semaphore, #tpu.memory_space<semaphore_mem>>
      %dma_start3A = arith.constant 160 : i32
      %dma_start3A_7 = arith.constant 0 : i32
      %dma_start3A_8 = tpu.memref_slice %arg6[%dma_start3A, %dma_start3A_7] : memref<320x128xf32, #tpu.memory_space<vmem>> -> memref<80x128xf32, #tpu.memory_space<vmem>>
      %dma_start3A_9 = arith.constant 0 : i32
      %dma_start3A_10 = tpu.memref_slice %arg5[%run_scoped3A_2, %dma_start3A_9] : memref<4x80xi32, #tpu.memory_space<vmem>> -> memref<1x80xi32, #tpu.memory_space<vmem>>
      %dma_start3A_11 = tpu.memref_squeeze %dma_start3A_10 : memref<1x80xi32, #tpu.memory_space<vmem>> -> memref<80xi32, #tpu.memory_space<vmem>>
      %dma_start3A_12 = arith.constant 0 : i32
      %dma_start3A_13 = arith.constant 0 : i32
      %dma_start3A_14 = tpu.memref_slice %arg2[%dma_start3A_12, %dma_start3A_13] : memref<10000x128xf32, #tpu.memory_space<hbm>> -> memref<10000x128xf32, #tpu.memory_space<hbm>>
      tpu.enqueue_indirect_dma source(%dma_start3A_14 : memref<10000x128xf32, #tpu.memory_space<hbm>>) target(%dma_start3A_8 : memref<80x128xf32, #tpu.memory_space<vmem>>) offsets(%dma_start3A_11 : memref<80xi32, #tpu.memory_space<vmem>>) semaphore(%run_scoped3A_6 : memref<!tpu.dma_semaphore, #tpu.memory_space<semaphore_mem>>)
      %dma_wait3A = arith.constant 160 : i32
      %dma_wait3A_15 = arith.constant 0 : i32
      %dma_wait3A_16 = tpu.memref_slice %arg6[%dma_wait3A, %dma_wait3A_15] : memref<320x128xf32, #tpu.memory_space<vmem>> -> memref<80x128xf32, #tpu.memory_space<vmem>>
      %dma_wait3A_17 = arith.constant 0 : i32
      %dma_wait3A_18 = tpu.memref_slice %arg5[%run_scoped3A_2, %dma_wait3A_17] : memref<4x80xi32, #tpu.memory_space<vmem>> -> memref<1x80xi32, #tpu.memory_space<vmem>>
      %dma_wait3A_19 = tpu.memref_squeeze %dma_wait3A_18 : memref<1x80xi32, #tpu.memory_space<vmem>> -> memref<80xi32, #tpu.memory_space<vmem>>
      %dma_wait3A_20 = arith.constant 0 : i32
      %dma_wait3A_21 = arith.constant 0 : i32
      %dma_wait3A_22 = tpu.memref_slice %arg2[%dma_wait3A_20, %dma_wait3A_21] : memref<10000x128xf32, #tpu.memory_space<hbm>> -> memref<10000x128xf32, #tpu.memory_space<hbm>>
      tpu.wait_indirect_dma semaphore(%run_scoped3A_6 : memref<!tpu.dma_semaphore, #tpu.memory_space<semaphore_mem>>) src(%dma_wait3A_22 : memref<10000x128xf32, #tpu.memory_space<hbm>>) dst(%dma_wait3A_16 : memref<80x128xf32, #tpu.memory_space<vmem>>)
      tpu.yield
    }) : () -> ()
    %run_scoped3A_3 = arith.constant 3 : i32
    "tpu.region"() ({
      %run_scoped3A_6 = tpu.sem_alloc : memref<!tpu.dma_semaphore, #tpu.memory_space<semaphore_mem>>
      %dma_start3A = arith.constant 240 : i32
      %dma_start3A_7 = arith.constant 0 : i32
      %dma_start3A_8 = tpu.memref_slice %arg6[%dma_start3A, %dma_start3A_7] : memref<320x128xf32, #tpu.memory_space<vmem>> -> memref<80x128xf32, #tpu.memory_space<vmem>>
      %dma_start3A_9 = arith.constant 0 : i32
      %dma_start3A_10 = tpu.memref_slice %arg5[%run_scoped3A_3, %dma_start3A_9] : memref<4x80xi32, #tpu.memory_space<vmem>> -> memref<1x80xi32, #tpu.memory_space<vmem>>
      %dma_start3A_11 = tpu.memref_squeeze %dma_start3A_10 : memref<1x80xi32, #tpu.memory_space<vmem>> -> memref<80xi32, #tpu.memory_space<vmem>>
      %dma_start3A_12 = arith.constant 0 : i32
      %dma_start3A_13 = arith.constant 0 : i32
      %dma_start3A_14 = tpu.memref_slice %arg2[%dma_start3A_12, %dma_start3A_13] : memref<10000x128xf32, #tpu.memory_space<hbm>> -> memref<10000x128xf32, #tpu.memory_space<hbm>>
      tpu.enqueue_indirect_dma source(%dma_start3A_14 : memref<10000x128xf32, #tpu.memory_space<hbm>>) target(%dma_start3A_8 : memref<80x128xf32, #tpu.memory_space<vmem>>) offsets(%dma_start3A_11 : memref<80xi32, #tpu.memory_space<vmem>>) semaphore(%run_scoped3A_6 : memref<!tpu.dma_semaphore, #tpu.memory_space<semaphore_mem>>)
      %dma_wait3A = arith.constant 240 : i32
      %dma_wait3A_15 = arith.constant 0 : i32
      %dma_wait3A_16 = tpu.memref_slice %arg6[%dma_wait3A, %dma_wait3A_15] : memref<320x128xf32, #tpu.memory_space<vmem>> -> memref<80x128xf32, #tpu.memory_space<vmem>>
      %dma_wait3A_17 = arith.constant 0 : i32
      %dma_wait3A_18 = tpu.memref_slice %arg5[%run_scoped3A_3, %dma_wait3A_17] : memref<4x80xi32, #tpu.memory_space<vmem>> -> memref<1x80xi32, #tpu.memory_space<vmem>>
      %dma_wait3A_19 = tpu.memref_squeeze %dma_wait3A_18 : memref<1x80xi32, #tpu.memory_space<vmem>> -> memref<80xi32, #tpu.memory_space<vmem>>
      %dma_wait3A_20 = arith.constant 0 : i32
      %dma_wait3A_21 = arith.constant 0 : i32
      %dma_wait3A_22 = tpu.memref_slice %arg2[%dma_wait3A_20, %dma_wait3A_21] : memref<10000x128xf32, #tpu.memory_space<hbm>> -> memref<10000x128xf32, #tpu.memory_space<hbm>>
      tpu.wait_indirect_dma semaphore(%run_scoped3A_6 : memref<!tpu.dma_semaphore, #tpu.memory_space<semaphore_mem>>) src(%dma_wait3A_22 : memref<10000x128xf32, #tpu.memory_space<hbm>>) dst(%dma_wait3A_16 : memref<80x128xf32, #tpu.memory_space<vmem>>)
      tpu.yield
    }) : () -> ()
    %mul3A_4 = arith.constant 320 : i32
    %mul3A_5 = arith.muli %add3A, %mul3A_4 : i32
    "tpu.region"() ({
      %run_scoped3A_6 = tpu.sem_alloc : memref<!tpu.dma_semaphore, #tpu.memory_space<semaphore_mem>>
      %dma_start3A = arith.constant 0 : i32
      %dma_start3A_7 = tpu.memref_slice %arg4[%mul3A_5, %dma_start3A] : memref<10240x128xf32, #tpu.memory_space<hbm>> -> memref<320x128xf32, #tpu.memory_space<hbm>>
      %dma_start3A_8 = arith.constant 0 : i32
      %dma_start3A_9 = tpu.memref_slice %arg4[%mul3A_5, %dma_start3A_8] : memref<10240x128xf32, #tpu.memory_space<hbm>> -> memref<320x128xf32, #tpu.memory_space<hbm>>
      tpu.enqueue_dma source(%arg6 : memref<320x128xf32, #tpu.memory_space<vmem>>) target(%dma_start3A_9 : memref<320x128xf32, #tpu.memory_space<hbm>>) target_semaphore(%run_scoped3A_6 : memref<!tpu.dma_semaphore, #tpu.memory_space<semaphore_mem>>)
      %dma_wait3A = arith.constant 0 : i32
      %dma_wait3A_10 = tpu.memref_slice %arg4[%mul3A_5, %dma_wait3A] : memref<10240x128xf32, #tpu.memory_space<hbm>> -> memref<320x128xf32, #tpu.memory_space<hbm>>
      %dma_wait3A_11 = arith.constant 0 : i32
      %dma_wait3A_12 = tpu.memref_slice %arg4[%mul3A_5, %dma_wait3A_11] : memref<10240x128xf32, #tpu.memory_space<hbm>> -> memref<320x128xf32, #tpu.memory_space<hbm>>
      tpu.wait_dma2 semaphore(%run_scoped3A_6 : memref<!tpu.dma_semaphore, #tpu.memory_space<semaphore_mem>>) src(%arg6 : memref<320x128xf32, #tpu.memory_space<vmem>>) dst(%dma_wait3A_12 : memref<320x128xf32, #tpu.memory_space<hbm>>)
      tpu.yield
    }) : () -> ()
    return
  }
}

module attributes {stable_mosaic.version = 14 : i64} {
  func.func @_linear_body(%arg0: i32, %arg1: memref<1000x128xf32, #tpu.memory_space<vmem>>, %arg2: memref<2x1000x128xf32, #tpu.memory_space<vmem>>, %arg3: memref<2x1000x128xf32, #tpu.memory_space<vmem>>, %arg4: memref<256x128xf32, #tpu.memory_space<vmem>>, %arg5: memref<1000x128xf32, #tpu.memory_space<vmem>>) attributes {dimension_semantics = [#tpu.dimension_semantics<arbitrary>], iteration_bounds = array<i64: 10>, scalar_prefetch = 0 : i64, scratch_operands = 0 : i64, tpu.core_type = #tpu.core_type<tc>, window_params = [{transform_indices = @transform_0, window_bounds = array<i64: 1000, 128>}, {transform_indices = @transform_1, window_bounds = array<i64: 2, 1000, 128>}, {transform_indices = @transform_2, window_bounds = array<i64: 2, 1000, 128>}, {pipeline_mode = #tpu.pipeline_mode<synchronous>, transform_indices = @transform_3, window_bounds = array<i64: 256, 128>}, {transform_indices = @transform_4, window_bounds = array<i64: 1000, 128>}]} {
    %get3A = arith.constant 0 : index
    %get3A_0 = arith.constant 0 : index
    %get3A_1 = arith.constant 0 : index
    %get3A_2 = vector.load %arg2[%get3A, %get3A_0, %get3A_1] : memref<2x1000x128xf32, #tpu.memory_space<vmem>>, vector<1x1000x128xf32>
    %get3A_3 = vector.shape_cast %get3A_2 : vector<1x1000x128xf32> to vector<1000x128xf32>
    %get3A_4 = arith.constant 1 : index
    %get3A_5 = arith.constant 0 : index
    %get3A_6 = arith.constant 0 : index
    %get3A_7 = vector.load %arg2[%get3A_4, %get3A_5, %get3A_6] : memref<2x1000x128xf32, #tpu.memory_space<vmem>>, vector<1x1000x128xf32>
    %get3A_8 = vector.shape_cast %get3A_7 : vector<1x1000x128xf32> to vector<1000x128xf32>
    %add3A = arith.addf %get3A_3, %get3A_8 : vector<1000x128xf32>
    %get3A_9 = arith.constant 0 : index
    %get3A_10 = arith.constant 0 : index
    %get3A_11 = arith.constant 0 : index
    %get3A_12 = vector.load %arg3[%get3A_9, %get3A_10, %get3A_11] : memref<2x1000x128xf32, #tpu.memory_space<vmem>>, vector<1x1000x128xf32>
    %get3A_13 = vector.shape_cast %get3A_12 : vector<1x1000x128xf32> to vector<1000x128xf32>
    %get3A_14 = arith.constant 1 : index
    %get3A_15 = arith.constant 0 : index
    %get3A_16 = arith.constant 0 : index
    %get3A_17 = vector.load %arg3[%get3A_14, %get3A_15, %get3A_16] : memref<2x1000x128xf32, #tpu.memory_space<vmem>>, vector<1x1000x128xf32>
    %get3A_18 = vector.shape_cast %get3A_17 : vector<1x1000x128xf32> to vector<1000x128xf32>
    %add3A_19 = arith.addf %get3A_13, %get3A_18 : vector<1000x128xf32>
    %reduce_max3A = arith.constant dense<0xFF800000> : vector<1000xf32>
    %reduce_max3A_20 = vector.multi_reduction <maximumf>, %add3A_19, %reduce_max3A [1] : vector<1000x128xf32> to vector<1000xf32>
    %broadcast_in_dim3A = vector.shape_cast %reduce_max3A_20 : vector<1000xf32> to vector<1000x1xf32>
    %max3A = arith.constant 1.000000e+00 : f32
    %max3A_21 = vector.broadcast %max3A : f32 to vector<1000x1xf32>
    %max3A_22 = arith.maximumf %broadcast_in_dim3A, %max3A_21 : vector<1000x1xf32>
    %div3A = arith.constant 1.000000e+00 : f32
    %div3A_23 = vector.broadcast %div3A : f32 to vector<1000x1xf32>
    %div3A_24 = arith.divf %div3A_23, %max3A_22 : vector<1000x1xf32>
    %get3A_25 = arith.constant 0 : index
    %get3A_26 = arith.constant 0 : index
    %get3A_27 = vector.load %arg1[%get3A_25, %get3A_26] : memref<1000x128xf32, #tpu.memory_space<vmem>>, vector<1000x128xf32>
    %mul3A = vector.broadcast %div3A_24 : vector<1000x1xf32> to vector<1000x128xf32>
    %mul3A_28 = arith.mulf %add3A, %mul3A : vector<1000x128xf32>
    %get3A_29 = arith.constant 0 : index
    %get3A_30 = arith.constant 0 : index
    %get3A_31 = vector.load %arg4[%get3A_29, %get3A_30] : memref<256x128xf32, #tpu.memory_space<vmem>>, vector<128x128xf32>
    %get3A_32 = arith.constant 128 : index
    %get3A_33 = arith.constant 0 : index
    %get3A_34 = vector.load %arg4[%get3A_32, %get3A_33] : memref<256x128xf32, #tpu.memory_space<vmem>>, vector<128x128xf32>
    %dot_general3A = arith.constant dense<0.000000e+00> : vector<1000x128xf32>
    %dot_general3A_35 = tpu.matmul %get3A_27, %get3A_31, %dot_general3A {dimension_numbers = #tpu.dot_dimension_numbers<[1], [0], [0], [1], [0, 0, 1, 1], [], []>, precision = #tpu.contract_precision<fp32>, transpose_lhs_hint = false} : vector<1000x128xf32>, vector<128x128xf32>, vector<1000x128xf32> -> vector<1000x128xf32>
    %dot_general3A_36 = arith.constant dense<0.000000e+00> : vector<1000x128xf32>
    %dot_general3A_37 = tpu.matmul %mul3A_28, %get3A_34, %dot_general3A_36 {dimension_numbers = #tpu.dot_dimension_numbers<[1], [0], [0], [1], [0, 0, 1, 1], [], []>, precision = #tpu.contract_precision<fp32>, transpose_lhs_hint = false} : vector<1000x128xf32>, vector<128x128xf32>, vector<1000x128xf32> -> vector<1000x128xf32>
    %add3A_38 = arith.addf %dot_general3A_35, %dot_general3A_37 : vector<1000x128xf32>
    %max3A_39 = arith.constant 0.000000e+00 : f32
    %max3A_40 = vector.broadcast %max3A_39 : f32 to vector<1000x128xf32>
    %max3A_41 = arith.maximumf %add3A_38, %max3A_40 : vector<1000x128xf32>
    %swap3A = arith.constant 0 : index
    %swap3A_42 = arith.constant 0 : index
    %swap3A_43 = vector.load %arg5[%swap3A, %swap3A_42] : memref<1000x128xf32, #tpu.memory_space<vmem>>, vector<1000x128xf32>
    tpu.vector_store %arg5[%swap3A, %swap3A_42], %max3A_41 {strides = array<i32>} : memref<1000x128xf32, #tpu.memory_space<vmem>>, vector<1000x128xf32>,
    return
  }
  func.func @transform_0(%arg0: i32) -> (i32, i32) {
    %c0_i32 = arith.constant 0 : i32
    %c0_i32_0 = arith.constant 0 : i32
    return %arg0, %c0_i32 : i32, i32
  }
  func.func @transform_1(%arg0: i32) -> (i32, i32, i32) {
    %c0_i32 = arith.constant 0 : i32
    %c0_i32_0 = arith.constant 0 : i32
    %c0_i32_1 = arith.constant 0 : i32
    return %c0_i32, %arg0, %c0_i32_0 : i32, i32, i32
  }
  func.func @transform_2(%arg0: i32) -> (i32, i32, i32) {
    %c0_i32 = arith.constant 0 : i32
    %c0_i32_0 = arith.constant 0 : i32
    %c0_i32_1 = arith.constant 0 : i32
    return %c0_i32, %arg0, %c0_i32_0 : i32, i32, i32
  }
  func.func @transform_3(%arg0: i32) -> (i32, i32) {
    %c0_i32 = arith.constant 0 : i32
    %c0_i32_0 = arith.constant 0 : i32
    %c0_i32_1 = arith.constant 0 : i32
    return %c0_i32, %c0_i32_0 : i32, i32
  }
  func.func @transform_4(%arg0: i32) -> (i32, i32) {
    %c0_i32 = arith.constant 0 : i32
    %c0_i32_0 = arith.constant 0 : i32
    return %arg0, %c0_i32 : i32, i32
  }
}

</mosaic_0001>

<sc_bundles>
// kernel: kernel.12.cloned.1.call-start
scs
__scs_entry_jumppad:
0x0: {  	(pc) =	sbr.rel $0x88, $3  }
0x1: {  	(tag) =	ssettag $0x0;
	lr =	simm.s32 $0x1  }
0x2: {  	[smem:$0x3F9D] =	sst lr;
	_ =	strace $0xD0000000  }
0x3: {  	_ = 	snop  }
0x4: {  	_ = 	snop  }
0x5: {  	_ = 	snop  }
0x6: {  	_ = 	snop  }
0x7: {  	_ = 	snop  }
__scs_overlays_trampoline_lowered:
0x8: {  	[smem:$0x3FAC] =	sst s0  }
0x9: {  	[smem:$0x3FAD] =	sst s1  }
0xa: {  	[smem:$0x3FAE] =	sst s2  }
0xb: {  	[smem:$0x3FAF] =	sst s3  }
0xc: {  	[smem:$0x3FB0] =	sst s4  }
0xd: {  	[smem:$0x3FB1] =	sst s5  }
0xe: {  	[smem:$0x3FB2] =	sst s6  }
0xf: {  	[smem:$0x3FB3] =	sst s7  }
0x10: {  	[smem:$0x3FB4] =	sst s8  }
0x11: {  	[smem:$0x3FB5] =	sst s9;
	s0 =	simm.s32 @!p0 $0x0  }
0x12: {  	s1 =	sld [smem:$0x3F9B];
	s0 =	simm.s32 @p0 $0x1  }
0x13: {  	[smem:$0x3FB6] =	sst s0;
	s0 =	simm.s32 @!p1 $0x0  }
0x14: {  	s2 =	sld [smem:$0x3F9A];
	s0 =	simm.s32 @p1 $0x1  }
0x15: {  	[smem:$0x3FB7] =	sst s0;
	s0 =	simm.s32 @!p2 $0x0  }
0x16: {  	s3 =	sld [smem:$0x3FDB];
	s0 =	simm.s32 @p2 $0x1  }
0x17: {  	s4 =	simm.s32 $0x1BF5;
	[smem:$0x3FB9] =	sst s0  }
0x18: {  	s0 =	sld [smem:$0x3F9C];
	_ =	swait.ge [sflag:s4], $0x0  }
0x19: {  	s7 =	sld [smem:$0x3F9D]  }
0x1a: {  	s8 =	sadd.s32 $0xFFFFE003, lr  }
0x1b: {  	s9 =	sadd.s32 $0xFFFFFEF7, lr;
	s5 =	simm.s32 $0xFFFFFFFF;
	p2 =	slt.u32 s8, $0xFFFFF086  }
0x1c: {  	p1 =	slt.u32 s9, $0xF7A;
	s5 =	simm.s32 @!p2 $0x0  }
0x1d: {  	s5 =	simm.s32 @p1 $0x1;
	p0 =	seq.s32 s7, s2  }
0x1e: {  	s7 =	smul.u32 @!p0 $0xF7A, s2;
	p2 =	seq.s32 @!p0 s5, $0x0  }
0x1f: {  	s9 =	smul.u32 $0xF7A, s1;
	s8 =	simm.s32 @!p0 $0x1BF5;
	p2 =	por !p2, p0  }
0x20: {  	[sflag:s8] =	ssyncset.s32 @!p0 $0xFFFFF086;
	s6 =	sadd.s32 @!p0 s3, s7;
	s7 =	simm.s32 @!p0 $0x108  }
0x21: {  	s3 =	sadd.s32 s3, s9;
	s6 =	sadd.s32 @!p0 $0x88, s6;
	s7 =	simm.s32 @p2 $0x1082  }
0x22: {  	[simem:s7], [sflag:s8] =	dma.local @!p0 [hbm:s6], $0xF7A  }
0x23: {  	s9 =	sor.u32 $0xD0000000, s2;
	s6 =	simm.s32 $0x108;
	_ =	swait.ge @!p0 [sflag:s8], $0x0  }
0x24: {  	s3 =	sadd.s32 $0x88, s3;
	s6 =	simm.s32 @!p1 $0x1082;
	[sflag:s4] =	ssyncset.s32 $0xFFFFF086  }
0x25: {  	[simem:s6], [sflag:s4] =	dma.local [hbm:s3], $0xF7A  }
0x26: {  	[smem:$0x3F9D] =	sst s1;
	(tag) =	ssettag s2;
	_ =	strace s9  }
0x27: {  	s1 =	sld [smem:$0x3FAD]  }
0x28: {  	s2 =	sld [smem:$0x3FAE]  }
0x29: {  	s4 =	sld [smem:$0x3FB0]  }
0x2a: {  	p0 =	seq.s32 s5, $0x0;
	s5 =	sld [smem:$0x3FB1]  }
0x2b: {  	s6 =	sld [smem:$0x3FB2]  }
0x2c: {  	s7 =	sld [smem:$0x3FB3]  }
0x2d: {  	s3 =	simm.s32 $0x108;
	s8 =	sld [smem:$0x3FB4]  }
0x2e: {  	s3 =	simm.s32 @!p0 $0x1082;
	s9 =	sld [smem:$0x3FB5]  }
0x2f: {  	lr =	sadd.s32 s0, s3;
	s0 =	sld [smem:$0x3FAC]  }
0x30: {  	s3 =	sld [smem:$0x3FAF]  }
0x31: {  	[smem:$0x3FB8] =	sst s10  }
0x32: {  	s10 =	sld [smem:$0x3FB6];
	_ =	sdelay $0x3  }
0x33: {  	p0 =	seq.s32 s10, $0x1;
	s10 =	sld [smem:$0x3FB8];
	_ =	sdelay $0x3  }
0x34: {  	[smem:$0x3FB8] =	sst s10  }
0x35: {  	s10 =	sld [smem:$0x3FB7];
	_ =	sdelay $0x3  }
0x36: {  	p1 =	seq.s32 s10, $0x1;
	s10 =	sld [smem:$0x3FB8];
	_ =	sdelay $0x3  }
0x37: {  	[smem:$0x3FB8] =	sst s10  }
0x38: {  	s10 =	sld [smem:$0x3FB9]  }
0x39: {  	_ = 	snop;
	(pc) =	sbr.ind lr, $3  }
0x3a: {  	_ = 	snop  }
0x3b: {  	_ = 	snop  }
0x3c: {  	p2 =	seq.s32 s10, $0x1;
	s10 =	sld [smem:$0x3FB8]  }
0x3d: {  	_ =	shalt  }
0x3e: {  	_ =	shalt  }
0x3f: {  	_ =	shalt  }
0x40: {  	_ =	shalt  }
0x41: {  	_ =	shalt  }
0x42: {  	_ =	shalt  }
0x43: {  	_ =	shalt  }
0x44: {  	_ =	shalt  }
0x45: {  	_ =	shalt  }
0x46: {  	_ =	shalt  }
0x47: {  	_ =	shalt  }
0x48: {  	_ =	shalt  }
0x49: {  	_ =	shalt  }
0x4a: {  	_ =	shalt  }
0x4b: {  	_ =	shalt  }
0x4c: {  	_ =	shalt  }
0x4d: {  	_ =	shalt  }
0x4e: {  	_ =	shalt  }
0x4f: {  	_ =	shalt  }
0x50: {  	_ =	shalt  }
0x51: {  	_ =	shalt  }
0x52: {  	_ =	shalt  }
0x53: {  	_ =	shalt  }
0x54: {  	_ =	shalt  }
0x55: {  	_ =	shalt  }
0x56: {  	_ =	shalt  }
0x57: {  	_ =	shalt  }
0x58: {  	_ =	shalt  }
0x59: {  	_ =	shalt  }
0x5a: {  	_ =	shalt  }
0x5b: {  	_ =	shalt  }
0x5c: {  	_ =	shalt  }
0x5d: {  	_ =	shalt  }
0x5e: {  	_ =	shalt  }
0x5f: {  	_ =	shalt  }
0x60: {  	_ =	shalt  }
0x61: {  	_ =	shalt  }
0x62: {  	_ =	shalt  }
0x63: {  	_ =	shalt  }
0x64: {  	_ =	shalt  }
0x65: {  	_ =	shalt  }
0x66: {  	_ =	shalt  }
0x67: {  	_ =	shalt  }
0x68: {  	_ =	shalt  }
0x69: {  	_ =	shalt  }
0x6a: {  	_ =	shalt  }
0x6b: {  	_ =	shalt  }
0x6c: {  	_ =	shalt  }
0x6d: {  	_ =	shalt  }
0x6e: {  	_ =	shalt  }
0x6f: {  	_ =	shalt  }
0x70: {  	_ =	shalt  }
0x71: {  	_ =	shalt  }
0x72: {  	_ =	shalt  }
0x73: {  	_ =	shalt  }
0x74: {  	_ =	shalt  }
0x75: {  	_ =	shalt  }
0x76: {  	_ =	shalt  }
0x77: {  	_ =	shalt  }
0x78: {  	_ =	shalt  }
0x79: {  	_ =	shalt  }
0x7a: {  	_ =	shalt  }
0x7b: {  	_ =	shalt  }
0x7c: {  	_ =	shalt  }
0x7d: {  	_ =	shalt  }
0x7e: {  	_ =	shalt  }
0x7f: {  	_ =	shalt  }
0x80: {  	_ =	shalt  }
0x81: {  	_ =	shalt  }
0x82: {  	_ =	shalt  }
0x83: {  	_ =	shalt  }
0x84: {  	_ =	shalt  }
0x85: {  	_ =	shalt  }
0x86: {  	_ =	shalt  }
0x87: {  	_ =	shalt  }
.Lfunc_end0:
.L_simem_size_0:
called_computation.2_lowered:
.L_overlay_start_0:
0x88: {  	s2 =	sld [smem:$0x3FD9]  }
0x89: {  	s3 =	sld [smem:$0x3FFE];
	_ =	sdelay $0x1  }
0x8a: {  	s1 =	srdreg.scid  }
0x8b: {  	s0 =	sand.u32 $0x1, s1  }
0x8c: {  	s17 =	sshll.u32 s0, $0xA;
	s2 =	sadd.s32 s3, s2  }
0x8d: {  	s2 =	sadd.s32 s2, s17  }
0x8e: {  	[smem:$0x3FC4] =	sst s2  }
0x8f: {  	_ = 	snop  }
0x90: {  	s2 =	sld [smem:$0x3FD0];
	(tm) =	ssettm $0x1  }
0x91: {  	s18 =	sld [smem:$0x3FFB];
	_ =	sdelay $0x3  }
0x92: {  	_ =	strace s18  }
0x93: {  	s3 =	sld [smem:$0x3FFC];
	_ =	sdelay $0x3  }
0x94: {  	_ =	strace s3  }
0x95: {  	s3 =	sld [smem:$0x3FFD];
	_ =	sdelay $0x3  }
0x96: {  	_ =	strace s3  }
0x97: {  	_ =	strace $0x8FFFFFFF  }
0x98: {  	s19 =	sld [smem:$0x3FDB];
	_ =	sdelay $0x1  }
0x99: {  	s4 =	simm.s32 $_scs_section_size  }
0x9a: {  	s5 =	simm.s32 $_size__tile_overlayer_lowered;
	s6 =	simm.s32 $_tile_overlayer_lowered  }
0x9b: {  	s22 =	simm.s32 $0x1BFF;
	s21 =	sshll.u32 s6, $0x1;
	s3 =	sadd.s32 s4, s19  }
0x9c: {  	s7 =	simm.s32 $0x0;
	s20 =	sshll.u32 s5, $0x1;
	s5 =	sadd.s32 s21, s3  }
0x9d: {  	[timem:s7], [sflag:s22] =	dma.local [hbm:s5], s20  }
0x9e: {  	_ =	swait.ge [sflag:s22], s20  }
0x9f: {  	s4 =	ssub.s32 $0x0, s20;
	[sflag:s22] =	ssyncset.done $0x0  }
0xa0: {  	[sflag:s22] =	ssyncadd.s32 s4;
	_ =	sdelay $0x1  }
0xa1: {  	s23 =	simm.s32 $0x1B8B  }
0xa2: {  	_ =	swait.ge [sflag:s23], $0x1  }
0xa3: {  	[sflag:s23] =	ssyncset.done $0x0  }
0xa4: {  	s25 =	simm.s32 $0x1B8E;
	s24 =	sld [smem:$0x3FFE];
	[sflag:s23] =	ssyncadd.s32 $0xFFFFFFFF  }
0xa5: {  	s26 =	simm.s32 $execute0_lowered;
	[smem:$0x3FD2] =	sst s25  }
0xa6: {  	s5 =	sshll.u32 s26, $0x1;
	_ =	strace $0x8000004C;
	[dreg:$0x1] =	wrdreg $0xFFFFFFFF  }
0xa7: {  	s28 =	simm.s32 $_size_execute0_lowered;
	s3 =	sadd.s32 s3, s5;
	[dreg:$0x0] =	wrdreg $0x0  }
0xa8: {  	s5 =	sshll.u32 s28, $0x1;
	[dreg:$0x2] =	wrdreg s3  }
0xa9: {  	[dreg:$0x3] =	wrdreg s5  }
0xaa: {  	[dreg:$0x4] =	wrdreg $0xC0  }
0xab: {  	_ =	task [dreg:s7], $0x5FFFF  }
0xac: {  	[dreg:$0x1] =	wrdreg $0xFFFFFFFF  }
0xad: {  	[dreg:$0x0] =	wrdreg $0x60  }
0xae: {  	[dreg:$0x2] =	wrdreg s2  }
0xaf: {  	[dreg:$0x3] =	wrdreg s24  }
0xb0: {  	[dreg:$0x4] =	wrdreg $0x9  }
0xb1: {  	_ =	task.clear_ibuf [dreg:s7], $0x5FFFF;
	_ =	strace $0x9000004C  }
0xb2: {  	s29 =	simm.s32 $0x9;
	_ =	strace $0x8000004E  }
0xb3: {  	_ =	swait.ge [sflag:s29], $0x1  }
0xb4: {  	[sflag:s29] =	ssyncadd.s32 $0xFFFFFFFF  }
0xb5: {  	_ =	strace $0x9000004E  }
0xb6: {  	_ =	sfence  }
0xb7: {  	s30 =	sld [smem:$0x0];
	_ =	sdelay $0x2  }
0xb8: {  	s31 =	sshll.u32 s1, $0xD;
	s1 =	sshrl.u32 s1, $0x2  }
0xb9: {  	s3 =	sand.u32 $0x4000, s31;
	s1 =	sadd.s32 s1, s30  }
0xba: {  	s0 =	sor.u32 s3, s0;
	s1 =	sshll.u32 s1, $0x11  }
0xbb: {  	s0 =	sor.u32 s1, s0  }
0xbc: {  	s0 =	sadd.s32 $0x8F2B, s0  }
0xbd: {  	[sflag:s0] =	ssyncadd.remote.s32 $0x1  }
0xbe: {  	_ =	sfence.sel $0xFFFF  }
0xbf: {  	[dreg:$0x0] =	wrdreg $0xFFFFFFFF;
	(pc) =	sbr.abs _section_cstart, $3  }
0xc0: {  	[dreg:$0x1] =	wrdreg $0xFFFFFFFF  }
0xc1: {  	_ =	task.clear_ibuf [dreg:s7], $0x2FFFF;
	_ =	strace $0x9FFFFFFF  }
0xc2: {  	(tm) =	ssettm $0x7FFFFFFF  }
0xc3: {  	_ =	shalt  }
tec
execute0_lowered:
.L_overlay_start_1:
0x0: {  	(tag) =	ssettag $0x1  }
0x1: {  	s2 =	rddreg [dreg:$0x0]  }
0x2: {  	s14 =	rddreg [dreg:$0x1]  }
0x3: {  	s1 =	stileid.u32;
	s3 =	srdreg.scid  }
0x4: {  	s0 =	rddreg [dreg:$0x2];
	s4 =	sshll.u32 s1, $0x6;
	s12 =	sand.u32 $0x1, s3  }
0x5: {  	s3 =	simm.s32 $0x0;
	s4 =	sadd.s32 s4, s14;
	s5 =	sshll.u32 s12, $0xA  }
0x6: {  	[smem:$0x7FF] =	sst s3;
	s4 =	sadd.s32 s5, s4  }
0x7: {  	_ =	strace $0x8000004D;
	s5 =	sadd.s32 $0xB1600, s4;
	s4 =	simm.s32 $0x1  }
0x8: {  	[tilespmem:s3], [sflag:$0x1] =	stream.linear.gather [hbm4b:s5+s3], $0x200, $0x38;
	[tilespmem:$0xA200] =	vst v63  }
0x9: {  	_ =	swait.ge [sflag:s4], $0x200  }
0xa: {  	[sflag:s4] =	ssyncset.done $0x0  }
0xb: {  	s6 =	simm.s32 $0x50;
	s7 =	simm.s32 $0x200;
	[sflag:s4] =	ssyncadd.s32 $0xFFFFFE00  }
0xc: {  	[tilespmem:s7], [sflag:$0x1] =	stream.indirect.gather [hbm4b:s2+s6], $0x80, s3, s6, $0xb8;
	[tilespmem:$0xA200] =	vst v63  }
0xd: {  	_ =	swait.ge [sflag:s4], $0x2800  }
0xe: {  	[sflag:s4] =	ssyncset.done $0x0  }
0xf: {  	s8 =	simm.s32 $0x80;
	s9 =	simm.s32 $0x2A00;
	[sflag:s4] =	ssyncadd.s32 $0xFFFFD800  }
0x10: {  	[tilespmem:s9], [sflag:$0x1] =	stream.indirect.gather [hbm4b:s2+s6], $0x80, s8, s6, $0xb8;
	[tilespmem:$0xA200] =	vst v63  }
0x11: {  	s10 =	simm.s32 $0x100;
	s11 =	simm.s32 $0x5200;
	_ =	swait.ge [sflag:s4], $0x2800  }
0x12: {  	s13 =	sshll.u32 s12, $0x4;
	s16 =	ssub.s32 $0x2, s12;
	[sflag:s4] =	ssyncset.done $0x0  }
0x13: {  	s12 =	simm.s32 $0x180;
	s13 =	sor.u32 s1, s13;
	[sflag:s4] =	ssyncadd.s32 $0xFFFFD800  }
0x14: {  	[tilespmem:s11], [sflag:$0x1] =	stream.indirect.gather [hbm4b:s2+s6], $0x80, s10, s6, $0xb8;
	[tilespmem:$0xA200] =	vst v63  }
0x15: {  	s17 =	sshrl.u32 s16, $0x1;
	s15 =	smul.u32 $0x1400, s13;
	_ =	swait.ge [sflag:s4], $0x2800  }
0x16: {  	s13 =	simm.s32 $0x7A00;
	s31 =	ssub.s32 s16, s17;
	[sflag:s4] =	ssyncset.done $0x0  }
0x17: {  	s14 =	sadd.s32 s15, s14;
	s15 =	smax.u32 s31, $0x1;
	[sflag:s4] =	ssyncadd.s32 $0xFFFFD800  }
0x18: {  	[tilespmem:s13], [sflag:$0x1] =	stream.indirect.gather [hbm4b:s2+s6], $0x80, s12, s6, $0xb8;
	[tilespmem:$0xA200] =	vst v63  }
0x19: {  	p0 =	sne.s32 s15, $0x1;
	_ =	swait.ge [sflag:s4], $0x2800  }
.Ltmp0:
0x1a: {  	[sflag:s4] =	ssyncset.done $0x0;
	(pc) =	sbr.rel @!p0 .LBB2_2-.Ltmp0, $4  }
0x1b: {  	s14 =	sadd.s32 $0x1600, s14;
	[sflag:s4] =	ssyncadd.s32 $0xFFFFD800  }
0x1c: {  	[hbm4b:s14+s3] =	stream.linear.scatter [tilespmem:s7], [sflag:$0x1], $0xA000, $0x38;
	[tilespmem:$0xA200] =	vst v63  }
0x1d: {  	_ =	swait.ge [sflag:s4], $0xA000  }
0x1e: {  	s15 =	sadd.s32 $0xFFFFFFFF, s15;
	[sflag:s4] =	ssyncset.done $0x0  }
.LBB2_1:
0x1f: {  	p0 =	sne.s32 s15, $0x1;
	s15 =	sadd.s32 $0xFFFFFFFF, s15;
	[sflag:s4] =	ssyncadd.s32 $0xFFFF6000  }
0x20: {  	[tilespmem:s3], [sflag:$0x1] =	stream.linear.gather [hbm4b:s5+s3], $0x200, $0x38;
	[tilespmem:$0xA200] =	vst v63  }
0x21: {  	_ =	swait.ge [sflag:s4], $0x200  }
0x22: {  	[sflag:s4] =	ssyncset.done $0x0  }
0x23: {  	[sflag:s4] =	ssyncadd.s32 $0xFFFFFE00  }
0x24: {  	[tilespmem:s7], [sflag:$0x1] =	stream.indirect.gather [hbm4b:s2+s6], $0x80, s3, s6, $0xb8;
	[tilespmem:$0xA200] =	vst v63  }
0x25: {  	_ =	swait.ge [sflag:s4], $0x2800  }
0x26: {  	[sflag:s4] =	ssyncset.done $0x0  }
0x27: {  	[sflag:s4] =	ssyncadd.s32 $0xFFFFD800  }
0x28: {  	[tilespmem:s9], [sflag:$0x1] =	stream.indirect.gather [hbm4b:s2+s6], $0x80, s8, s6, $0xb8;
	[tilespmem:$0xA200] =	vst v63  }
0x29: {  	_ =	swait.ge [sflag:s4], $0x2800  }
0x2a: {  	[sflag:s4] =	ssyncset.done $0x0  }
0x2b: {  	[sflag:s4] =	ssyncadd.s32 $0xFFFFD800  }
0x2c: {  	[tilespmem:s11], [sflag:$0x1] =	stream.indirect.gather [hbm4b:s2+s6], $0x80, s10, s6, $0xb8;
	[tilespmem:$0xA200] =	vst v63  }
0x2d: {  	_ =	swait.ge [sflag:s4], $0x2800  }
0x2e: {  	[sflag:s4] =	ssyncset.done $0x0  }
0x2f: {  	[sflag:s4] =	ssyncadd.s32 $0xFFFFD800  }
0x30: {  	[tilespmem:s13], [sflag:$0x1] =	stream.indirect.gather [hbm4b:s2+s6], $0x80, s12, s6, $0xb8;
	[tilespmem:$0xA200] =	vst v63  }
0x31: {  	_ =	swait.ge [sflag:s4], $0x2800  }
.Ltmp1:
0x32: {  	[sflag:s4] =	ssyncset.done $0x0;
	(pc) =	sbr.rel @p0 .LBB2_1-.Ltmp1, $4  }
0x33: {  	[sflag:s4] =	ssyncadd.s32 $0xFFFFD800  }
0x34: {  	[hbm4b:s14+s3] =	stream.linear.scatter [tilespmem:s7], [sflag:$0x1], $0xA000, $0x38;
	[tilespmem:$0xA200] =	vst v63  }
0x35: {  	_ =	swait.ge [sflag:s4], $0xA000  }
0x36: {  	[sflag:s4] =	ssyncset.done $0x0  }
.LBB2_2:
0x37: {  	[sflag:s4] =	ssyncadd.s32 $0xFFFF6000  }
0x38: {  	_ =	sfence.sel $0x180000  }
0x39: {  	[bflag:$0x0] =	sbarrier.arrive $0xFFFF  }
0x3a: {  	p0 =	sne.s32 s1, $0x0;
	_ =	strace $0x9000004D  }
0x3b: {  	s0 =	sadd.s32 @!p0 $0x100000, s0;
	[bflag:$0x2] =	sbarrier.arrive $0xFFFF  }
0x3c: {  	[sflag:s0] =	ssyncadd.tile.s32 @!p0 $0x1;
	_ =	shalt  }
.Lfunc_end2:
_tile_overlayer_lowered:
.L_overlay_start_2:
0x3d: {  	(tag) =	ssettag $0x2  }
0x3e: {  	s0 =	rddreg [dreg:$0x0];
	s2 =	stileid.u32  }
0x3f: {  	s1 =	rddreg [dreg:$0x1];
	p0 =	sne.s32 s2, $0x0  }
0x40: {  	s3 =	rddreg [dreg:$0x2];
	[bflag:$0x3] =	sbarrier.arrive $0xFFFF;
	s2 =	simm.s32 @!p0 $0x1C01  }
0x41: {  	[timem:s3], [sflag:s2] =	dma.local @!p0 [hbm:s0], s1  }
0x42: {  	s0 =	simm.s32 @!p0 $0x1  }
0x43: {  	_ =	swait.ge @!p0 [sflag:s0], s1  }
0x44: {  	s1 =	ssub.s32 @!p0 $0x0, s1;
	[sflag:s0] =	ssyncset.done @!p0 $0x0  }
0x45: {  	[sflag:s0] =	ssyncadd.s32 @!p0 s1  }
0x46: {  	[bflag:$0x3] =	sbarrier.arrive $0xFFFF  }
0x47: {  	_ =	shalt  }

// kernel: kernel.6.cloned.1.call-start
scs
__scs_entry_jumppad:
0x0: {  	(pc) =	sbr.rel $0x88, $3  }
0x1: {  	(tag) =	ssettag $0x0;
	lr =	simm.s32 $0x1  }
0x2: {  	[smem:$0x3F9D] =	sst lr;
	_ =	strace $0xD0000000  }
0x3: {  	_ = 	snop  }
0x4: {  	_ = 	snop  }
0x5: {  	_ = 	snop  }
0x6: {  	_ = 	snop  }
0x7: {  	_ = 	snop  }
__scs_overlays_trampoline_lowered:
0x8: {  	[smem:$0x3FAC] =	sst s0  }
0x9: {  	[smem:$0x3FAD] =	sst s1  }
0xa: {  	[smem:$0x3FAE] =	sst s2  }
0xb: {  	[smem:$0x3FAF] =	sst s3  }
0xc: {  	[smem:$0x3FB0] =	sst s4  }
0xd: {  	[smem:$0x3FB1] =	sst s5  }
0xe: {  	[smem:$0x3FB2] =	sst s6  }
0xf: {  	[smem:$0x3FB3] =	sst s7  }
0x10: {  	[smem:$0x3FB4] =	sst s8  }
0x11: {  	[smem:$0x3FB5] =	sst s9;
	s0 =	simm.s32 @!p0 $0x0  }
0x12: {  	s1 =	sld [smem:$0x3F9B];
	s0 =	simm.s32 @p0 $0x1  }
0x13: {  	[smem:$0x3FB6] =	sst s0;
	s0 =	simm.s32 @!p1 $0x0  }
0x14: {  	s2 =	sld [smem:$0x3F9A];
	s0 =	simm.s32 @p1 $0x1  }
0x15: {  	[smem:$0x3FB7] =	sst s0;
	s0 =	simm.s32 @!p2 $0x0  }
0x16: {  	s3 =	sld [smem:$0x3FDB];
	s0 =	simm.s32 @p2 $0x1  }
0x17: {  	s4 =	simm.s32 $0x1BF5;
	[smem:$0x3FB9] =	sst s0  }
0x18: {  	s0 =	sld [smem:$0x3F9C];
	_ =	swait.ge [sflag:s4], $0x0  }
0x19: {  	s7 =	sld [smem:$0x3F9D]  }
0x1a: {  	s8 =	sadd.s32 $0xFFFFE003, lr  }
0x1b: {  	s9 =	sadd.s32 $0xFFFFFEF7, lr;
	s5 =	simm.s32 $0xFFFFFFFF;
	p2 =	slt.u32 s8, $0xFFFFF086  }
0x1c: {  	p1 =	slt.u32 s9, $0xF7A;
	s5 =	simm.s32 @!p2 $0x0  }
0x1d: {  	s5 =	simm.s32 @p1 $0x1;
	p0 =	seq.s32 s7, s2  }
0x1e: {  	s7 =	smul.u32 @!p0 $0xF7A, s2;
	p2 =	seq.s32 @!p0 s5, $0x0  }
0x1f: {  	s9 =	smul.u32 $0xF7A, s1;
	s8 =	simm.s32 @!p0 $0x1BF5;
	p2 =	por !p2, p0  }
0x20: {  	[sflag:s8] =	ssyncset.s32 @!p0 $0xFFFFF086;
	s6 =	sadd.s32 @!p0 s3, s7;
	s7 =	simm.s32 @!p0 $0x108  }
0x21: {  	s3 =	sadd.s32 s3, s9;
	s6 =	sadd.s32 @!p0 $0x88, s6;
	s7 =	simm.s32 @p2 $0x1082  }
0x22: {  	[simem:s7], [sflag:s8] =	dma.local @!p0 [hbm:s6], $0xF7A  }
0x23: {  	s9 =	sor.u32 $0xD0000000, s2;
	s6 =	simm.s32 $0x108;
	_ =	swait.ge @!p0 [sflag:s8], $0x0  }
0x24: {  	s3 =	sadd.s32 $0x88, s3;
	s6 =	simm.s32 @!p1 $0x1082;
	[sflag:s4] =	ssyncset.s32 $0xFFFFF086  }
0x25: {  	[simem:s6], [sflag:s4] =	dma.local [hbm:s3], $0xF7A  }
0x26: {  	[smem:$0x3F9D] =	sst s1;
	(tag) =	ssettag s2;
	_ =	strace s9  }
0x27: {  	s1 =	sld [smem:$0x3FAD]  }
0x28: {  	s2 =	sld [smem:$0x3FAE]  }
0x29: {  	s4 =	sld [smem:$0x3FB0]  }
0x2a: {  	p0 =	seq.s32 s5, $0x0;
	s5 =	sld [smem:$0x3FB1]  }
0x2b: {  	s6 =	sld [smem:$0x3FB2]  }
0x2c: {  	s7 =	sld [smem:$0x3FB3]  }
0x2d: {  	s3 =	simm.s32 $0x108;
	s8 =	sld [smem:$0x3FB4]  }
0x2e: {  	s3 =	simm.s32 @!p0 $0x1082;
	s9 =	sld [smem:$0x3FB5]  }
0x2f: {  	lr =	sadd.s32 s0, s3;
	s0 =	sld [smem:$0x3FAC]  }
0x30: {  	s3 =	sld [smem:$0x3FAF]  }
0x31: {  	[smem:$0x3FB8] =	sst s10  }
0x32: {  	s10 =	sld [smem:$0x3FB6];
	_ =	sdelay $0x3  }
0x33: {  	p0 =	seq.s32 s10, $0x1;
	s10 =	sld [smem:$0x3FB8];
	_ =	sdelay $0x3  }
0x34: {  	[smem:$0x3FB8] =	sst s10  }
0x35: {  	s10 =	sld [smem:$0x3FB7];
	_ =	sdelay $0x3  }
0x36: {  	p1 =	seq.s32 s10, $0x1;
	s10 =	sld [smem:$0x3FB8];
	_ =	sdelay $0x3  }
0x37: {  	[smem:$0x3FB8] =	sst s10  }
0x38: {  	s10 =	sld [smem:$0x3FB9]  }
0x39: {  	_ = 	snop;
	(pc) =	sbr.ind lr, $3  }
0x3a: {  	_ = 	snop  }
0x3b: {  	_ = 	snop  }
0x3c: {  	p2 =	seq.s32 s10, $0x1;
	s10 =	sld [smem:$0x3FB8]  }
0x3d: {  	_ =	shalt  }
0x3e: {  	_ =	shalt  }
0x3f: {  	_ =	shalt  }
0x40: {  	_ =	shalt  }
0x41: {  	_ =	shalt  }
0x42: {  	_ =	shalt  }
0x43: {  	_ =	shalt  }
0x44: {  	_ =	shalt  }
0x45: {  	_ =	shalt  }
0x46: {  	_ =	shalt  }
0x47: {  	_ =	shalt  }
0x48: {  	_ =	shalt  }
0x49: {  	_ =	shalt  }
0x4a: {  	_ =	shalt  }
0x4b: {  	_ =	shalt  }
0x4c: {  	_ =	shalt  }
0x4d: {  	_ =	shalt  }
0x4e: {  	_ =	shalt  }
0x4f: {  	_ =	shalt  }
0x50: {  	_ =	shalt  }
0x51: {  	_ =	shalt  }
0x52: {  	_ =	shalt  }
0x53: {  	_ =	shalt  }
0x54: {  	_ =	shalt  }
0x55: {  	_ =	shalt  }
0x56: {  	_ =	shalt  }
0x57: {  	_ =	shalt  }
0x58: {  	_ =	shalt  }
0x59: {  	_ =	shalt  }
0x5a: {  	_ =	shalt  }
0x5b: {  	_ =	shalt  }
0x5c: {  	_ =	shalt  }
0x5d: {  	_ =	shalt  }
0x5e: {  	_ =	shalt  }
0x5f: {  	_ =	shalt  }
0x60: {  	_ =	shalt  }
0x61: {  	_ =	shalt  }
0x62: {  	_ =	shalt  }
0x63: {  	_ =	shalt  }
0x64: {  	_ =	shalt  }
0x65: {  	_ =	shalt  }
0x66: {  	_ =	shalt  }
0x67: {  	_ =	shalt  }
0x68: {  	_ =	shalt  }
0x69: {  	_ =	shalt  }
0x6a: {  	_ =	shalt  }
0x6b: {  	_ =	shalt  }
0x6c: {  	_ =	shalt  }
0x6d: {  	_ =	shalt  }
0x6e: {  	_ =	shalt  }
0x6f: {  	_ =	shalt  }
0x70: {  	_ =	shalt  }
0x71: {  	_ =	shalt  }
0x72: {  	_ =	shalt  }
0x73: {  	_ =	shalt  }
0x74: {  	_ =	shalt  }
0x75: {  	_ =	shalt  }
0x76: {  	_ =	shalt  }
0x77: {  	_ =	shalt  }
0x78: {  	_ =	shalt  }
0x79: {  	_ =	shalt  }
0x7a: {  	_ =	shalt  }
0x7b: {  	_ =	shalt  }
0x7c: {  	_ =	shalt  }
0x7d: {  	_ =	shalt  }
0x7e: {  	_ =	shalt  }
0x7f: {  	_ =	shalt  }
0x80: {  	_ =	shalt  }
0x81: {  	_ =	shalt  }
0x82: {  	_ =	shalt  }
0x83: {  	_ =	shalt  }
0x84: {  	_ =	shalt  }
0x85: {  	_ =	shalt  }
0x86: {  	_ =	shalt  }
0x87: {  	_ =	shalt  }
.Lfunc_end0:
.L_simem_size_0:
called_computation_lowered:
.L_overlay_start_0:
0x88: {  	s2 =	sld [smem:$0x3FD9]  }
0x89: {  	s3 =	sld [smem:$0x3FFE];
	_ =	sdelay $0x1  }
0x8a: {  	s1 =	srdreg.scid  }
0x8b: {  	s0 =	sand.u32 $0x1, s1  }
0x8c: {  	s17 =	sshll.u32 s0, $0xA;
	s2 =	sadd.s32 s3, s2  }
0x8d: {  	s2 =	sadd.s32 s2, s17  }
0x8e: {  	[smem:$0x3FC4] =	sst s2  }
0x8f: {  	_ = 	snop  }
0x90: {  	s2 =	sld [smem:$0x3FC7]  }
0x91: {  	s18 =	sld [smem:$0x3FD0];
	(tm) =	ssettm $0x1  }
0x92: {  	s4 =	sld [smem:$0x3FFB];
	_ =	sdelay $0x3  }
0x93: {  	_ =	strace s4  }
0x94: {  	s4 =	sld [smem:$0x3FFC];
	_ =	sdelay $0x3  }
0x95: {  	_ =	strace s4  }
0x96: {  	s4 =	sld [smem:$0x3FFD];
	_ =	sdelay $0x3  }
0x97: {  	_ =	strace s4  }
0x98: {  	_ =	strace $0x8FFFFFFF  }
0x99: {  	s19 =	sld [smem:$0x3FDB];
	_ =	sdelay $0x1  }
0x9a: {  	s5 =	simm.s32 $_scs_section_size  }
0x9b: {  	s6 =	simm.s32 $_size__tile_overlayer_lowered;
	s7 =	simm.s32 $_tile_overlayer_lowered  }
0x9c: {  	s22 =	simm.s32 $0x1BFF;
	s21 =	sshll.u32 s7, $0x1;
	s4 =	sadd.s32 s5, s19  }
0x9d: {  	s8 =	simm.s32 $0x0;
	s20 =	sshll.u32 s6, $0x1;
	s6 =	sadd.s32 s21, s4  }
0x9e: {  	[timem:s8], [sflag:s22] =	dma.local [hbm:s6], s20  }
0x9f: {  	_ =	swait.ge [sflag:s22], s20  }
0xa0: {  	s5 =	ssub.s32 $0x0, s20;
	[sflag:s22] =	ssyncset.done $0x0  }
0xa1: {  	[sflag:s22] =	ssyncadd.s32 s5;
	_ =	sdelay $0x1  }
0xa2: {  	s23 =	simm.s32 $0x1B8B  }
0xa3: {  	_ =	swait.ge [sflag:s23], $0x1  }
0xa4: {  	[sflag:s23] =	ssyncset.done $0x0  }
0xa5: {  	s25 =	simm.s32 $0x1B8E;
	s24 =	sld [smem:$0x3FFE];
	[sflag:s23] =	ssyncadd.s32 $0xFFFFFFFF  }
0xa6: {  	s26 =	simm.s32 $execute0_lowered;
	[smem:$0x3FD2] =	sst s25  }
0xa7: {  	s6 =	sshll.u32 s26, $0x1;
	_ =	strace $0x80000046;
	[dreg:$0x1] =	wrdreg $0xFFFFFFFF  }
0xa8: {  	s28 =	simm.s32 $_size_execute0_lowered;
	s4 =	sadd.s32 s4, s6;
	[dreg:$0x0] =	wrdreg $0x0  }
0xa9: {  	s6 =	sshll.u32 s28, $0x1;
	[dreg:$0x2] =	wrdreg s4  }
0xaa: {  	[dreg:$0x3] =	wrdreg s6  }
0xab: {  	[dreg:$0x4] =	wrdreg $0xC0  }
0xac: {  	_ =	task [dreg:s8], $0x5FFFF  }
0xad: {  	[dreg:$0x1] =	wrdreg $0xFFFFFFFF  }
0xae: {  	[dreg:$0x0] =	wrdreg $0x60  }
0xaf: {  	[dreg:$0x2] =	wrdreg s2  }
0xb0: {  	[dreg:$0x3] =	wrdreg s18  }
0xb1: {  	[dreg:$0x4] =	wrdreg s24  }
0xb2: {  	[dreg:$0x5] =	wrdreg $0x90000  }
0xb3: {  	[dreg:$0x6] =	wrdreg $0x9  }
0xb4: {  	_ =	task.clear_ibuf [dreg:s8], $0x7FFFF;
	_ =	strace $0x90000046  }
0xb5: {  	s29 =	simm.s32 $0x9;
	_ =	strace $0x80000048  }
0xb6: {  	_ =	swait.ge [sflag:s29], $0x1  }
0xb7: {  	[sflag:s29] =	ssyncadd.s32 $0xFFFFFFFF  }
0xb8: {  	_ =	strace $0x90000048  }
0xb9: {  	_ =	sfence  }
0xba: {  	s30 =	sld [smem:$0x0];
	_ =	sdelay $0x2  }
0xbb: {  	s31 =	sshll.u32 s1, $0xD;
	s1 =	sshrl.u32 s1, $0x2  }
0xbc: {  	s3 =	sand.u32 $0x4000, s31;
	s1 =	sadd.s32 s1, s30  }
0xbd: {  	s0 =	sor.u32 s3, s0;
	s1 =	sshll.u32 s1, $0x11  }
0xbe: {  	s0 =	sor.u32 s1, s0  }
0xbf: {  	s0 =	sadd.s32 $0x8F2B, s0  }
0xc0: {  	[sflag:s0] =	ssyncadd.remote.s32 $0x1  }
0xc1: {  	_ =	sfence.sel $0xFFFF  }
0xc2: {  	[dreg:$0x0] =	wrdreg $0xFFFFFFFF;
	(pc) =	sbr.abs _section_cstart, $3  }
0xc3: {  	[dreg:$0x1] =	wrdreg $0xFFFFFFFF  }
0xc4: {  	_ =	task.clear_ibuf [dreg:s8], $0x2FFFF;
	_ =	strace $0x9FFFFFFF  }
0xc5: {  	(tm) =	ssettm $0x7FFFFFFF  }
tec
execute0_lowered:
.L_overlay_start_1:
0x0: {  	(tag) =	ssettag $0x1  }
0x1: {  	s0 =	rddreg [dreg:$0x0]  }
0x2: {  	s15 =	rddreg [dreg:$0x1]  }
0x3: {  	s5 =	rddreg [dreg:$0x2];
	s1 =	srdreg.scid  }
0x4: {  	s3 =	rddreg [dreg:$0x3];
	s2 =	stileid.u32;
	s4 =	simm.s32 $0x0  }
0x5: {  	s20 =	simm.s32 $0x2;
	s21 =	simm.s32 $0x2000;
	s22 =	simm.s32 $0x50  }
0x6: {  	s23 =	simm.s32 $0x1;
	s24 =	simm.s32 $0x6800;
	s25 =	simm.s32 $0x1F80  }
0x7: {  	s26 =	simm.s32 $0x3F00;
	s9 =	sand.u32 $0x1, s1;
	s1 =	rddreg [dreg:$0x4]  }
0x8: {  	s28 =	simm.s32 $0x3F80;
	s7 =	smul.u32 $0x14000, s2;
	[smem:$0x7FF] =	sst s4  }
0x9: {  	s8 =	smul.u32 $0x50000, s2;
	s16 =	sadd.s32 $0x1600, s5;
	s12 =	sshll.u32 s2, $0xB  }
0xa: {  	s6 =	smul.u32 $0x140000, s9;
	_ =	strace $0x80000047;
	s30 =	ssub.s32 $0x2, s9  }
0xb: {  	s11 =	sshll.u32 s9, $0xF;
	s8 =	sshrl.u32 s8, $0x2;
	s31 =	sshrl.u32 s30, $0x1  }
0xc: {  	s14 =	sor.u32 s12, s11;
	s6 =	sadd.s32 s7, s6;
	s18 =	ssub.s32 s30, s31  }
0xd: {  	s19 =	sor.u32 $0x400, s14;
	s13 =	sadd.s32 s15, s14;
	s14 =	sadd.s32 s16, s14  }
0xe: {  	s6 =	sshrl.u32 s6, $0x3;
	s15 =	sadd.s32 s15, s19;
	s16 =	sadd.s32 s16, s19  }
0xf: {  	s18 =	smax.u32 s18, $0x1;
	s17 =	sadd.s32 s6, s5;
	s5 =	sadd.s32 s8, s3  }
0x10: {  	s19 =	simm.s32 $0x4000;
	s6 =	sadd.s32 $0x2800, s5;
	s7 =	sadd.s32 $0x5000, s5  }
0x11: {  	s8 =	sadd.s32 $0x7800, s5;
	s9 =	sadd.s32 $0xA000, s5;
	s10 =	sadd.s32 $0xC800, s5  }
0x12: {  	v0 =	vimm.f32 $0.0e+00;
	s11 =	sadd.s32 $0xF000, s5;
	s12 =	sadd.s32 $0x11800, s5;
	s17 =	sadd.s32 $0x11600, s17  }
.LBB2_1:
0x13: {  	s29 =	simm.s32 $0x0;
	s30 =	simm.s32 $0x200  }
.LBB2_2:
0x14: {  	p0 =	sne.s32 s30, $0x9E00;
	[tilespmem:s29+$0x4070] =	vst v0  }
0x15: {  	[tilespmem:s29+$0x4000] =	vst v0  }
0x16: {  	[tilespmem:s29+$0x4010] =	vst v0  }
.Ltmp0:
0x17: {  	[tilespmem:s29+$0x4020] =	vst v0;
	(pc) =	sbr.rel @p0 .LBB2_2-.Ltmp0, $4  }
0x18: {  	[tilespmem:s29+$0x4030] =	vst v0  }
0x19: {  	[tilespmem:s29+$0x4040] =	vst v0  }
0x1a: {  	[tilespmem:s29+$0x4050] =	vst v0  }
0x1b: {  	[tilespmem:s29+$0x4060] =	vst v0;
	s29 =	sshra.s32 s30, $0x2;
	s30 =	sadd.s32 $0x200, s30  }
0x1c: {  	[tilespmem:s29+$0x4070] =	vst v0  }
0x1d: {  	[tilespmem:s29+$0x4000] =	vst v0  }
0x1e: {  	[tilespmem:s29+$0x4010] =	vst v0  }
0x1f: {  	[tilespmem:s29+$0x4020] =	vst v0  }
0x20: {  	[tilespmem:s29+$0x4030] =	vst v0  }
0x21: {  	[tilespmem:s29+$0x4040] =	vst v0  }
0x22: {  	[tilespmem:s29+$0x4050] =	vst v0  }
0x23: {  	[tilespmem:s29+$0x4060] =	vst v0  }
0x24: {  	[spmem:s5] =	stream.linear.scatter [tilespmem:s19], [sflag:$0x2], $0x2800, $0x38;
	[tilespmem:$0x1D000] =	vst v63  }
0x25: {  	_ =	swait.ge [sflag:s20], $0x2800  }
0x26: {  	[sflag:s20] =	ssyncset.done $0x0  }
0x27: {  	[sflag:s20] =	ssyncadd.s32 $0xFFFFD800  }
0x28: {  	[spmem:s6] =	stream.linear.scatter [tilespmem:s19], [sflag:$0x2], $0x2800, $0x38;
	[tilespmem:$0x1D000] =	vst v63  }
0x29: {  	_ =	swait.ge [sflag:s20], $0x2800  }
0x2a: {  	[sflag:s20] =	ssyncset.done $0x0  }
0x2b: {  	[sflag:s20] =	ssyncadd.s32 $0xFFFFD800  }
0x2c: {  	[spmem:s7] =	stream.linear.scatter [tilespmem:s19], [sflag:$0x2], $0x2800, $0x38;
	[tilespmem:$0x1D000] =	vst v63  }
0x2d: {  	_ =	swait.ge [sflag:s20], $0x2800  }
0x2e: {  	[sflag:s20] =	ssyncset.done $0x0  }
0x2f: {  	[sflag:s20] =	ssyncadd.s32 $0xFFFFD800  }
0x30: {  	[spmem:s8] =	stream.linear.scatter [tilespmem:s19], [sflag:$0x2], $0x2800, $0x38;
	[tilespmem:$0x1D000] =	vst v63  }
0x31: {  	_ =	swait.ge [sflag:s20], $0x2800  }
0x32: {  	[sflag:s20] =	ssyncset.done $0x0  }
0x33: {  	[sflag:s20] =	ssyncadd.s32 $0xFFFFD800  }
0x34: {  	[spmem:s9] =	stream.linear.scatter [tilespmem:s19], [sflag:$0x2], $0x2800, $0x38;
	[tilespmem:$0x1D000] =	vst v63  }
0x35: {  	_ =	swait.ge [sflag:s20], $0x2800  }
0x36: {  	[sflag:s20] =	ssyncset.done $0x0  }
0x37: {  	[sflag:s20] =	ssyncadd.s32 $0xFFFFD800  }
0x38: {  	[spmem:s10] =	stream.linear.scatter [tilespmem:s19], [sflag:$0x2], $0x2800, $0x38;
	[tilespmem:$0x1D000] =	vst v63  }
0x39: {  	_ =	swait.ge [sflag:s20], $0x2800  }
0x3a: {  	[sflag:s20] =	ssyncset.done $0x0  }
0x3b: {  	[sflag:s20] =	ssyncadd.s32 $0xFFFFD800  }
0x3c: {  	[spmem:s11] =	stream.linear.scatter [tilespmem:s19], [sflag:$0x2], $0x2800, $0x38;
	[tilespmem:$0x1D000] =	vst v63  }
0x3d: {  	_ =	swait.ge [sflag:s20], $0x2800  }
0x3e: {  	[sflag:s20] =	ssyncset.done $0x0  }
0x3f: {  	[sflag:s20] =	ssyncadd.s32 $0xFFFFD800  }
0x40: {  	[spmem:s12] =	stream.linear.scatter [tilespmem:s19], [sflag:$0x2], $0x2800, $0x38;
	[tilespmem:$0x1D000] =	vst v63  }
0x41: {  	_ =	swait.ge [sflag:s20], $0x2800  }
0x42: {  	[sflag:s20] =	ssyncset.done $0x0  }
0x43: {  	[sflag:s20] =	ssyncadd.s32 $0xFFFFD800  }
0x44: {  	s29 =	simm.s32 $0x0;
	[bflag:$0x0] =	sbarrier.arrive $0xFFFF  }
0x45: {  	[tilespmem:s29], [sflag:$0x2] =	stream.linear.gather [hbm4b:s13+s29], $0x2000, $0x38;
	[tilespmem:$0x1D000] =	vst v63  }
0x46: {  	_ =	swait.ge [sflag:s20], $0x2000  }
0x47: {  	[sflag:s20] =	ssyncset.done $0x0  }
0x48: {  	[sflag:s20] =	ssyncadd.s32 $0xFFFFE000  }
0x49: {  	[tilespmem:s21], [sflag:$0x2] =	stream.linear.gather [hbm4b:s14+s29], $0x2000, $0x38;
	[tilespmem:$0x1D000] =	vst v63  }
0x4a: {  	_ =	swait.ge [sflag:s20], $0x2000  }
0x4b: {  	[sflag:s20] =	ssyncset.done $0x0  }
0x4c: {  	[sflag:s20] =	ssyncadd.s32 $0xFFFFE000  }
0x4d: {  	[tilespmem:s19], [sflag:$0x1] =	stream.indirect.gather [hbm4b:s0+s22], $0x80, s29, s22, $0xb8;
	[tilespmem:$0x1D000] =	vst v63  }
0x4e: {  	_ =	swait.ge [sflag:s23], $0x2800  }
0x4f: {  	[sflag:s23] =	ssyncset.done $0x0  }
0x50: {  	s29 =	simm.s32 $0x80;
	[sflag:s23] =	ssyncadd.s32 $0xFFFFD800  }
0x51: {  	[tilespmem:s24], [sflag:$0x1] =	stream.indirect.gather [hbm4b:s0+s22], $0x80, s29, s22, $0xb8;
	[tilespmem:$0x1D000] =	vst v63  }
0x52: {  	s29 =	simm.s32 $0x2000  }
0x53: {  	[spmem:s3] =	stream.indirect.scatter.add.f32 [tilespmem:s19], [sflag:$0x2], $0x80, s29, s22, $0xb8;
	[tilespmem:$0x1D000] =	vst v63  }
0x54: {  	_ =	swait.ge [sflag:s20], $0x2800  }
0x55: {  	[sflag:s20] =	ssyncset.done $0x0  }
0x56: {  	[sflag:s20] =	ssyncadd.s32 $0xFFFFD800  }
0x57: {  	_ =	swait.ge [sflag:s23], $0x2800  }
0x58: {  	[sflag:s23] =	ssyncset.done $0x0  }
0x59: {  	s29 =	simm.s32 $0x100;
	[sflag:s23] =	ssyncadd.s32 $0xFFFFD800  }
0x5a: {  	[tilespmem:s19], [sflag:$0x1] =	stream.indirect.gather [hbm4b:s0+s22], $0x80, s29, s22, $0xb8;
	[tilespmem:$0x1D000] =	vst v63  }
0x5b: {  	s29 =	simm.s32 $0x2080  }
0x5c: {  	[spmem:s3] =	stream.indirect.scatter.add.f32 [tilespmem:s24], [sflag:$0x2], $0x80, s29, s22, $0xb8;
	[tilespmem:$0x1D000] =	vst v63  }
0x5d: {  	_ =	swait.ge [sflag:s20], $0x2800  }
0x5e: {  	s29 =	simm.s32 $0x400;
	[sflag:s20] =	ssyncset.done $0x0  }
.LBB2_4:
0x5f: {  	p0 =	sne.s32 s29, $0x7800  }
0x60: {  	[sflag:s20] =	ssyncadd.s32 $0xFFFFD800;
	s30 =	smov.u32 s29;
	s29 =	sadd.s32 $0x400, s29  }
0x61: {  	_ = 	snop  }
0x62: {  	_ =	swait.ge [sflag:s23], $0x2800  }
0x63: {  	s30 =	sshra.s32 s30, $0x2;
	[sflag:s23] =	ssyncset.done $0x0  }
0x64: {  	s31 =	sadd.s32 $0x80, s30;
	[sflag:s23] =	ssyncadd.s32 $0xFFFFD800  }
0x65: {  	[tilespmem:s24], [sflag:$0x1] =	stream.indirect.gather [hbm4b:s0+s22], $0x80, s31, s22, $0xb8;
	[tilespmem:$0x1D000] =	vst v63  }
0x66: {  	s31 =	sadd.s32 $0x2000, s30  }
0x67: {  	[spmem:s3] =	stream.indirect.scatter.add.f32 [tilespmem:s19], [sflag:$0x2], $0x80, s31, s22, $0xb8;
	[tilespmem:$0x1D000] =	vst v63  }
0x68: {  	_ =	swait.ge [sflag:s20], $0x2800  }
0x69: {  	[sflag:s20] =	ssyncset.done $0x0  }
0x6a: {  	[sflag:s20] =	ssyncadd.s32 $0xFFFFD800  }
0x6b: {  	_ =	swait.ge [sflag:s23], $0x2800  }
0x6c: {  	[sflag:s23] =	ssyncset.done $0x0  }
0x6d: {  	s31 =	sadd.s32 $0x100, s30;
	[sflag:s23] =	ssyncadd.s32 $0xFFFFD800  }
0x6e: {  	[tilespmem:s19], [sflag:$0x1] =	stream.indirect.gather [hbm4b:s0+s22], $0x80, s31, s22, $0xb8;
	[tilespmem:$0x1D000] =	vst v63  }
.Ltmp1:
0x6f: {  	_ = 	snop;
	(pc) =	sbr.rel @p0 .LBB2_4-.Ltmp1, $4  }
0x70: {  	s30 =	sadd.s32 $0x2080, s30  }
0x71: {  	[spmem:s3] =	stream.indirect.scatter.add.f32 [tilespmem:s24], [sflag:$0x2], $0x80, s30, s22, $0xb8;
	[tilespmem:$0x1D000] =	vst v63  }
0x72: {  	_ =	swait.ge [sflag:s20], $0x2800  }
0x73: {  	[sflag:s20] =	ssyncset.done $0x0  }
0x74: {  	[sflag:s20] =	ssyncadd.s32 $0xFFFFD800  }
0x75: {  	_ =	swait.ge [sflag:s23], $0x2800  }
0x76: {  	[sflag:s23] =	ssyncset.done $0x0  }
0x77: {  	[sflag:s23] =	ssyncadd.s32 $0xFFFFD800  }
0x78: {  	[tilespmem:s24], [sflag:$0x1] =	stream.indirect.gather [hbm4b:s0+s22], $0x80, s25, s22, $0xb8;
	[tilespmem:$0x1D000] =	vst v63  }
0x79: {  	_ = 	snop  }
0x7a: {  	[spmem:s3] =	stream.indirect.scatter.add.f32 [tilespmem:s19], [sflag:$0x2], $0x80, s26, s22, $0xb8;
	[tilespmem:$0x1D000] =	vst v63  }
0x7b: {  	_ =	swait.ge [sflag:s20], $0x2800  }
0x7c: {  	[sflag:s20] =	ssyncset.done $0x0  }
0x7d: {  	[sflag:s20] =	ssyncadd.s32 $0xFFFFD800  }
0x7e: {  	_ =	swait.ge [sflag:s23], $0x2800  }
0x7f: {  	[sflag:s23] =	ssyncset.done $0x0  }
0x80: {  	[sflag:s23] =	ssyncadd.s32 $0xFFFFD800  }
0x81: {  	[tilespmem:s19], [sflag:$0x1] =	stream.indirect.gather [hbm4b:s0+s22], $0x80, s25, s22, $0xb8;
	[tilespmem:$0x1D000] =	vst v63  }
0x82: {  	_ = 	snop  }
0x83: {  	[spmem:s3] =	stream.indirect.scatter.add.f32 [tilespmem:s24], [sflag:$0x2], $0x80, s28, s22, $0xb8;
	[tilespmem:$0x1D000] =	vst v63  }
0x84: {  	_ =	swait.ge [sflag:s20], $0x2800  }
0x85: {  	[sflag:s20] =	ssyncset.done $0x0  }
0x86: {  	[sflag:s20] =	ssyncadd.s32 $0xFFFFD800  }
0x87: {  	_ =	swait.ge [sflag:s23], $0x2800  }
0x88: {  	[sflag:s23] =	ssyncset.done $0x0  }
0x89: {  	s29 =	simm.s32 $0x0;
	[sflag:s23] =	ssyncadd.s32 $0xFFFFD800  }
0x8a: {  	[tilespmem:s29], [sflag:$0x2] =	stream.linear.gather [hbm4b:s15+s29], $0x2000, $0x38;
	[tilespmem:$0x1D000] =	vst v63  }
0x8b: {  	_ =	swait.ge [sflag:s20], $0x2000  }
0x8c: {  	[sflag:s20] =	ssyncset.done $0x0  }
0x8d: {  	[sflag:s20] =	ssyncadd.s32 $0xFFFFE000  }
0x8e: {  	[tilespmem:s21], [sflag:$0x2] =	stream.linear.gather [hbm4b:s16+s29], $0x2000, $0x38;
	[tilespmem:$0x1D000] =	vst v63  }
0x8f: {  	_ =	swait.ge [sflag:s20], $0x2000  }
0x90: {  	[sflag:s20] =	ssyncset.done $0x0  }
0x91: {  	[sflag:s20] =	ssyncadd.s32 $0xFFFFE000  }
0x92: {  	[tilespmem:s19], [sflag:$0x1] =	stream.indirect.gather [hbm4b:s0+s22], $0x80, s29, s22, $0xb8;
	[tilespmem:$0x1D000] =	vst v63  }
0x93: {  	_ =	swait.ge [sflag:s23], $0x2800  }
0x94: {  	[sflag:s23] =	ssyncset.done $0x0  }
0x95: {  	s29 =	simm.s32 $0x80;
	[sflag:s23] =	ssyncadd.s32 $0xFFFFD800  }
0x96: {  	[tilespmem:s24], [sflag:$0x1] =	stream.indirect.gather [hbm4b:s0+s22], $0x80, s29, s22, $0xb8;
	[tilespmem:$0x1D000] =	vst v63  }
0x97: {  	s29 =	simm.s32 $0x2000  }
0x98: {  	[spmem:s3] =	stream.indirect.scatter.add.f32 [tilespmem:s19], [sflag:$0x2], $0x80, s29, s22, $0xb8;
	[tilespmem:$0x1D000] =	vst v63  }
0x99: {  	_ =	swait.ge [sflag:s20], $0x2800  }
0x9a: {  	[sflag:s20] =	ssyncset.done $0x0  }
0x9b: {  	[sflag:s20] =	ssyncadd.s32 $0xFFFFD800  }
0x9c: {  	_ =	swait.ge [sflag:s23], $0x2800  }
0x9d: {  	[sflag:s23] =	ssyncset.done $0x0  }
0x9e: {  	s29 =	simm.s32 $0x100;
	[sflag:s23] =	ssyncadd.s32 $0xFFFFD800  }
0x9f: {  	[tilespmem:s19], [sflag:$0x1] =	stream.indirect.gather [hbm4b:s0+s22], $0x80, s29, s22, $0xb8;
	[tilespmem:$0x1D000] =	vst v63  }
0xa0: {  	s29 =	simm.s32 $0x2080  }
0xa1: {  	[spmem:s3] =	stream.indirect.scatter.add.f32 [tilespmem:s24], [sflag:$0x2], $0x80, s29, s22, $0xb8;
	[tilespmem:$0x1D000] =	vst v63  }
0xa2: {  	_ =	swait.ge [sflag:s20], $0x2800  }
0xa3: {  	s29 =	simm.s32 $0x400;
	[sflag:s20] =	ssyncset.done $0x0  }
.LBB2_6:
0xa4: {  	p0 =	sne.s32 s29, $0x7800  }
0xa5: {  	[sflag:s20] =	ssyncadd.s32 $0xFFFFD800;
	s30 =	smov.u32 s29;
	s29 =	sadd.s32 $0x400, s29  }
0xa6: {  	_ = 	snop  }
0xa7: {  	_ =	swait.ge [sflag:s23], $0x2800  }
0xa8: {  	s30 =	sshra.s32 s30, $0x2;
	[sflag:s23] =	ssyncset.done $0x0  }
0xa9: {  	s31 =	sadd.s32 $0x80, s30;
	[sflag:s23] =	ssyncadd.s32 $0xFFFFD800  }
0xaa: {  	[tilespmem:s24], [sflag:$0x1] =	stream.indirect.gather [hbm4b:s0+s22], $0x80, s31, s22, $0xb8;
	[tilespmem:$0x1D000] =	vst v63  }
0xab: {  	s31 =	sadd.s32 $0x2000, s30  }
0xac: {  	[spmem:s3] =	stream.indirect.scatter.add.f32 [tilespmem:s19], [sflag:$0x2], $0x80, s31, s22, $0xb8;
	[tilespmem:$0x1D000] =	vst v63  }
0xad: {  	_ =	swait.ge [sflag:s20], $0x2800  }
0xae: {  	[sflag:s20] =	ssyncset.done $0x0  }
0xaf: {  	[sflag:s20] =	ssyncadd.s32 $0xFFFFD800  }
0xb0: {  	_ =	swait.ge [sflag:s23], $0x2800  }
0xb1: {  	[sflag:s23] =	ssyncset.done $0x0  }
0xb2: {  	s31 =	sadd.s32 $0x100, s30;
	[sflag:s23] =	ssyncadd.s32 $0xFFFFD800  }
0xb3: {  	[tilespmem:s19], [sflag:$0x1] =	stream.indirect.gather [hbm4b:s0+s22], $0x80, s31, s22, $0xb8;
	[tilespmem:$0x1D000] =	vst v63  }
.Ltmp2:
0xb4: {  	_ = 	snop;
	(pc) =	sbr.rel @p0 .LBB2_6-.Ltmp2, $4  }
0xb5: {  	s30 =	sadd.s32 $0x2080, s30  }
0xb6: {  	[spmem:s3] =	stream.indirect.scatter.add.f32 [tilespmem:s24], [sflag:$0x2], $0x80, s30, s22, $0xb8;
	[tilespmem:$0x1D000] =	vst v63  }
0xb7: {  	_ =	swait.ge [sflag:s20], $0x2800  }
0xb8: {  	[sflag:s20] =	ssyncset.done $0x0  }
0xb9: {  	[sflag:s20] =	ssyncadd.s32 $0xFFFFD800  }
0xba: {  	_ =	swait.ge [sflag:s23], $0x2800  }
0xbb: {  	[sflag:s23] =	ssyncset.done $0x0  }
0xbc: {  	[sflag:s23] =	ssyncadd.s32 $0xFFFFD800  }
0xbd: {  	[tilespmem:s24], [sflag:$0x1] =	stream.indirect.gather [hbm4b:s0+s22], $0x80, s25, s22, $0xb8;
	[tilespmem:$0x1D000] =	vst v63  }
0xbe: {  	_ = 	snop  }
0xbf: {  	[spmem:s3] =	stream.indirect.scatter.add.f32 [tilespmem:s19], [sflag:$0x2], $0x80, s26, s22, $0xb8;
	[tilespmem:$0x1D000] =	vst v63  }
0xc0: {  	_ =	swait.ge [sflag:s20], $0x2800  }
0xc1: {  	[sflag:s20] =	ssyncset.done $0x0  }
0xc2: {  	[sflag:s20] =	ssyncadd.s32 $0xFFFFD800  }
0xc3: {  	_ =	swait.ge [sflag:s23], $0x2800  }
0xc4: {  	[sflag:s23] =	ssyncset.done $0x0  }
0xc5: {  	[sflag:s23] =	ssyncadd.s32 $0xFFFFD800  }
0xc6: {  	[tilespmem:s19], [sflag:$0x1] =	stream.indirect.gather [hbm4b:s0+s22], $0x80, s25, s22, $0xb8;
	[tilespmem:$0x1D000] =	vst v63  }
0xc7: {  	_ = 	snop  }
0xc8: {  	[spmem:s3] =	stream.indirect.scatter.add.f32 [tilespmem:s24], [sflag:$0x2], $0x80, s28, s22, $0xb8;
	[tilespmem:$0x1D000] =	vst v63  }
0xc9: {  	_ =	swait.ge [sflag:s20], $0x2800  }
0xca: {  	[sflag:s20] =	ssyncset.done $0x0  }
0xcb: {  	[sflag:s20] =	ssyncadd.s32 $0xFFFFD800  }
0xcc: {  	_ =	swait.ge [sflag:s23], $0x2800  }
0xcd: {  	s29 =	sshll.u32 s2, $0x6;
	s4 =	sadd.s32 $0x1, s4;
	[sflag:s23] =	ssyncset.done $0x0  }
0xce: {  	s30 =	sshrl.u32 s5, $0x3;
	p0 =	sne.s32 s4, s18;
	[sflag:s23] =	ssyncadd.s32 $0xFFFFD800  }
.Ltmp3:
0xcf: {  	s29 =	sor.u32 $0x1C02, s29;
	[bflag:$0x0] =	sbarrier.arrive $0xFFFF;
	(pc) =	sbr.rel @p0 .LBB2_1-.Ltmp3, $4  }
0xd0: {  	[hbm:s17], [sflag:s29] =	dma.local [spmem:s30], $0x2800  }
0xd1: {  	_ =	swait.ge [sflag:s20], $0x2800  }
0xd2: {  	[sflag:s20] =	ssyncset.done $0x0  }
0xd3: {  	[sflag:s20] =	ssyncadd.s32 $0xFFFFD800  }
0xd4: {  	_ =	sfence.sel $0x180000  }
0xd5: {  	[bflag:$0x0] =	sbarrier.arrive $0xFFFF  }
0xd6: {  	p0 =	sne.s32 s2, $0x0;
	_ =	strace $0x90000047  }
0xd7: {  	s0 =	sadd.s32 @!p0 $0x100000, s1;
	[bflag:$0x2] =	sbarrier.arrive $0xFFFF  }
0xd8: {  	[sflag:s0] =	ssyncadd.tile.s32 @!p0 $0x1;
	_ =	shalt  }
.Lfunc_end2:
_tile_overlayer_lowered:
.L_overlay_start_2:
0xd9: {  	(tag) =	ssettag $0x2  }
0xda: {  	s0 =	rddreg [dreg:$0x0];
	s2 =	stileid.u32  }
0xdb: {  	s1 =	rddreg [dreg:$0x1];
	p0 =	sne.s32 s2, $0x0  }
0xdc: {  	s3 =	rddreg [dreg:$0x2];
	[bflag:$0x3] =	sbarrier.arrive $0xFFFF;
	s2 =	simm.s32 @!p0 $0x1C02  }
0xdd: {  	[timem:s3], [sflag:s2] =	dma.local @!p0 [hbm:s0], s1  }
0xde: {  	s0 =	simm.s32 @!p0 $0x2  }
0xdf: {  	_ =	swait.ge @!p0 [sflag:s0], s1  }
0xe0: {  	s1 =	ssub.s32 @!p0 $0x0, s1;
	[sflag:s0] =	ssyncset.done @!p0 $0x0  }
0xe1: {  	[sflag:s0] =	ssyncadd.s32 @!p0 s1  }
0xe2: {  	[bflag:$0x3] =	sbarrier.arrive $0xFFFF  }
0xe3: {  	_ =	shalt  }

// kernel: kernel.9.cloned.1.call-start
scs
__scs_entry_jumppad:
0x0: {  	(pc) =	sbr.rel $0x88, $3  }
0x1: {  	(tag) =	ssettag $0x0;
	lr =	simm.s32 $0x1  }
0x2: {  	[smem:$0x3F9D] =	sst lr;
	_ =	strace $0xD0000000  }
0x3: {  	_ = 	snop  }
0x4: {  	_ = 	snop  }
0x5: {  	_ = 	snop  }
0x6: {  	_ = 	snop  }
0x7: {  	_ = 	snop  }
__scs_overlays_trampoline_lowered:
0x8: {  	[smem:$0x3FAC] =	sst s0  }
0x9: {  	[smem:$0x3FAD] =	sst s1  }
0xa: {  	[smem:$0x3FAE] =	sst s2  }
0xb: {  	[smem:$0x3FAF] =	sst s3  }
0xc: {  	[smem:$0x3FB0] =	sst s4  }
0xd: {  	[smem:$0x3FB1] =	sst s5  }
0xe: {  	[smem:$0x3FB2] =	sst s6  }
0xf: {  	[smem:$0x3FB3] =	sst s7  }
0x10: {  	[smem:$0x3FB4] =	sst s8  }
0x11: {  	[smem:$0x3FB5] =	sst s9;
	s0 =	simm.s32 @!p0 $0x0  }
0x12: {  	s1 =	sld [smem:$0x3F9B];
	s0 =	simm.s32 @p0 $0x1  }
0x13: {  	[smem:$0x3FB6] =	sst s0;
	s0 =	simm.s32 @!p1 $0x0  }
0x14: {  	s2 =	sld [smem:$0x3F9A];
	s0 =	simm.s32 @p1 $0x1  }
0x15: {  	[smem:$0x3FB7] =	sst s0;
	s0 =	simm.s32 @!p2 $0x0  }
0x16: {  	s3 =	sld [smem:$0x3FDB];
	s0 =	simm.s32 @p2 $0x1  }
0x17: {  	s4 =	simm.s32 $0x1BF5;
	[smem:$0x3FB9] =	sst s0  }
0x18: {  	s0 =	sld [smem:$0x3F9C];
	_ =	swait.ge [sflag:s4], $0x0  }
0x19: {  	s7 =	sld [smem:$0x3F9D]  }
0x1a: {  	s8 =	sadd.s32 $0xFFFFE003, lr  }
0x1b: {  	s9 =	sadd.s32 $0xFFFFFEF7, lr;
	s5 =	simm.s32 $0xFFFFFFFF;
	p2 =	slt.u32 s8, $0xFFFFF086  }
0x1c: {  	p1 =	slt.u32 s9, $0xF7A;
	s5 =	simm.s32 @!p2 $0x0  }
0x1d: {  	s5 =	simm.s32 @p1 $0x1;
	p0 =	seq.s32 s7, s2  }
0x1e: {  	s7 =	smul.u32 @!p0 $0xF7A, s2;
	p2 =	seq.s32 @!p0 s5, $0x0  }
0x1f: {  	s9 =	smul.u32 $0xF7A, s1;
	s8 =	simm.s32 @!p0 $0x1BF5;
	p2 =	por !p2, p0  }
0x20: {  	[sflag:s8] =	ssyncset.s32 @!p0 $0xFFFFF086;
	s6 =	sadd.s32 @!p0 s3, s7;
	s7 =	simm.s32 @!p0 $0x108  }
0x21: {  	s3 =	sadd.s32 s3, s9;
	s6 =	sadd.s32 @!p0 $0x88, s6;
	s7 =	simm.s32 @p2 $0x1082  }
0x22: {  	[simem:s7], [sflag:s8] =	dma.local @!p0 [hbm:s6], $0xF7A  }
0x23: {  	s9 =	sor.u32 $0xD0000000, s2;
	s6 =	simm.s32 $0x108;
	_ =	swait.ge @!p0 [sflag:s8], $0x0  }
0x24: {  	s3 =	sadd.s32 $0x88, s3;
	s6 =	simm.s32 @!p1 $0x1082;
	[sflag:s4] =	ssyncset.s32 $0xFFFFF086  }
0x25: {  	[simem:s6], [sflag:s4] =	dma.local [hbm:s3], $0xF7A  }
0x26: {  	[smem:$0x3F9D] =	sst s1;
	(tag) =	ssettag s2;
	_ =	strace s9  }
0x27: {  	s1 =	sld [smem:$0x3FAD]  }
0x28: {  	s2 =	sld [smem:$0x3FAE]  }
0x29: {  	s4 =	sld [smem:$0x3FB0]  }
0x2a: {  	p0 =	seq.s32 s5, $0x0;
	s5 =	sld [smem:$0x3FB1]  }
0x2b: {  	s6 =	sld [smem:$0x3FB2]  }
0x2c: {  	s7 =	sld [smem:$0x3FB3]  }
0x2d: {  	s3 =	simm.s32 $0x108;
	s8 =	sld [smem:$0x3FB4]  }
0x2e: {  	s3 =	simm.s32 @!p0 $0x1082;
	s9 =	sld [smem:$0x3FB5]  }
0x2f: {  	lr =	sadd.s32 s0, s3;
	s0 =	sld [smem:$0x3FAC]  }
0x30: {  	s3 =	sld [smem:$0x3FAF]  }
0x31: {  	[smem:$0x3FB8] =	sst s10  }
0x32: {  	s10 =	sld [smem:$0x3FB6];
	_ =	sdelay $0x3  }
0x33: {  	p0 =	seq.s32 s10, $0x1;
	s10 =	sld [smem:$0x3FB8];
	_ =	sdelay $0x3  }
0x34: {  	[smem:$0x3FB8] =	sst s10  }
0x35: {  	s10 =	sld [smem:$0x3FB7];
	_ =	sdelay $0x3  }
0x36: {  	p1 =	seq.s32 s10, $0x1;
	s10 =	sld [smem:$0x3FB8];
	_ =	sdelay $0x3  }
0x37: {  	[smem:$0x3FB8] =	sst s10  }
0x38: {  	s10 =	sld [smem:$0x3FB9]  }
0x39: {  	_ = 	snop;
	(pc) =	sbr.ind lr, $3  }
0x3a: {  	_ = 	snop  }
0x3b: {  	_ = 	snop  }
0x3c: {  	p2 =	seq.s32 s10, $0x1;
	s10 =	sld [smem:$0x3FB8]  }
0x3d: {  	_ =	shalt  }
0x3e: {  	_ =	shalt  }
0x3f: {  	_ =	shalt  }
0x40: {  	_ =	shalt  }
0x41: {  	_ =	shalt  }
0x42: {  	_ =	shalt  }
0x43: {  	_ =	shalt  }
0x44: {  	_ =	shalt  }
0x45: {  	_ =	shalt  }
0x46: {  	_ =	shalt  }
0x47: {  	_ =	shalt  }
0x48: {  	_ =	shalt  }
0x49: {  	_ =	shalt  }
0x4a: {  	_ =	shalt  }
0x4b: {  	_ =	shalt  }
0x4c: {  	_ =	shalt  }
0x4d: {  	_ =	shalt  }
0x4e: {  	_ =	shalt  }
0x4f: {  	_ =	shalt  }
0x50: {  	_ =	shalt  }
0x51: {  	_ =	shalt  }
0x52: {  	_ =	shalt  }
0x53: {  	_ =	shalt  }
0x54: {  	_ =	shalt  }
0x55: {  	_ =	shalt  }
0x56: {  	_ =	shalt  }
0x57: {  	_ =	shalt  }
0x58: {  	_ =	shalt  }
0x59: {  	_ =	shalt  }
0x5a: {  	_ =	shalt  }
0x5b: {  	_ =	shalt  }
0x5c: {  	_ =	shalt  }
0x5d: {  	_ =	shalt  }
0x5e: {  	_ =	shalt  }
0x5f: {  	_ =	shalt  }
0x60: {  	_ =	shalt  }
0x61: {  	_ =	shalt  }
0x62: {  	_ =	shalt  }
0x63: {  	_ =	shalt  }
0x64: {  	_ =	shalt  }
0x65: {  	_ =	shalt  }
0x66: {  	_ =	shalt  }
0x67: {  	_ =	shalt  }
0x68: {  	_ =	shalt  }
0x69: {  	_ =	shalt  }
0x6a: {  	_ =	shalt  }
0x6b: {  	_ =	shalt  }
0x6c: {  	_ =	shalt  }
0x6d: {  	_ =	shalt  }
0x6e: {  	_ =	shalt  }
0x6f: {  	_ =	shalt  }
0x70: {  	_ =	shalt  }
0x71: {  	_ =	shalt  }
0x72: {  	_ =	shalt  }
0x73: {  	_ =	shalt  }
0x74: {  	_ =	shalt  }
0x75: {  	_ =	shalt  }
0x76: {  	_ =	shalt  }
0x77: {  	_ =	shalt  }
0x78: {  	_ =	shalt  }
0x79: {  	_ =	shalt  }
0x7a: {  	_ =	shalt  }
0x7b: {  	_ =	shalt  }
0x7c: {  	_ =	shalt  }
0x7d: {  	_ =	shalt  }
0x7e: {  	_ =	shalt  }
0x7f: {  	_ =	shalt  }
0x80: {  	_ =	shalt  }
0x81: {  	_ =	shalt  }
0x82: {  	_ =	shalt  }
0x83: {  	_ =	shalt  }
0x84: {  	_ =	shalt  }
0x85: {  	_ =	shalt  }
0x86: {  	_ =	shalt  }
0x87: {  	_ =	shalt  }
.Lfunc_end0:
.L_simem_size_0:
called_computation.1_lowered:
.L_overlay_start_0:
0x88: {  	s2 =	sld [smem:$0x3FD9]  }
0x89: {  	s3 =	sld [smem:$0x3FFE];
	_ =	sdelay $0x1  }
0x8a: {  	s1 =	srdreg.scid  }
0x8b: {  	s0 =	sand.u32 $0x1, s1  }
0x8c: {  	s17 =	sshll.u32 s0, $0xA;
	s2 =	sadd.s32 s3, s2  }
0x8d: {  	s2 =	sadd.s32 s2, s17  }
0x8e: {  	[smem:$0x3FC4] =	sst s2  }
0x8f: {  	_ = 	snop  }
0x90: {  	(tm) =	ssettm $0x1  }
0x91: {  	s18 =	sld [smem:$0x3FFB];
	_ =	sdelay $0x3  }
0x92: {  	_ =	strace s18  }
0x93: {  	s2 =	sld [smem:$0x3FFC];
	_ =	sdelay $0x3  }
0x94: {  	_ =	strace s2  }
0x95: {  	s2 =	sld [smem:$0x3FFD];
	_ =	sdelay $0x3  }
0x96: {  	_ =	strace s2  }
0x97: {  	_ =	strace $0x8FFFFFFF  }
0x98: {  	s19 =	sld [smem:$0x3FDB];
	_ =	sdelay $0x1  }
0x99: {  	s20 =	simm.s32 $_scs_section_size  }
0x9a: {  	s4 =	simm.s32 $_size__tile_overlayer_lowered;
	s5 =	simm.s32 $_tile_overlayer_lowered  }
0x9b: {  	s6 =	simm.s32 $0x1BFF;
	s21 =	sshll.u32 s5, $0x1;
	s3 =	sadd.s32 s20, s19  }
0x9c: {  	s22 =	simm.s32 $0x0;
	s4 =	sshll.u32 s4, $0x1;
	s5 =	sadd.s32 s21, s3  }
0x9d: {  	[timem:s22], [sflag:s6] =	dma.local [hbm:s5], s4  }
0x9e: {  	_ =	swait.ge [sflag:s6], s4  }
0x9f: {  	s4 =	ssub.s32 $0x0, s4;
	[sflag:s6] =	ssyncset.done $0x0  }
0xa0: {  	[sflag:s6] =	ssyncadd.s32 s4;
	_ =	sdelay $0x1  }
0xa1: {  	s23 =	simm.s32 $0x1B8B  }
0xa2: {  	_ =	swait.ge [sflag:s23], $0x1  }
0xa3: {  	[sflag:s23] =	ssyncset.done $0x0  }
0xa4: {  	[sflag:s23] =	ssyncadd.s32 $0xFFFFFFFF  }
0xa5: {  	s4 =	sld [smem:$0x0]  }
0xa6: {  	s5 =	sand.u32 $0xFFFFFFFE, s1  }
0xa7: {  	p0 =	sne.s32 s1, s5  }
0xa8: {  	s5 =	sshll.u32 @p0 s5, $0xE  }
0xa9: {  	s5 =	sadd.s32 @p0 $0x11B8D, s5;
	s6 =	sshll.u32 @p0 s4, $0x11  }
0xaa: {  	s5 =	sor.u32 @p0 s6, s5  }
0xab: {  	[sflag:s5] =	ssyncadd.remote.s32 @p0 $0x1;
	_ =	sdelay $0x1  }
0xac: {  	s5 =	simm.s32 @p0 $0x1B8D  }
0xad: {  	_ =	swait.eq @p0 [sflag:s5], $0x1  }
0xae: {  	[sflag:s5] =	ssyncadd.s32 @p0 $0xFFFFFFFF  }
0xaf: {  	s6 =	sshll.u32 @!p0 s1, $0xE  }
0xb0: {  	s6 =	sor.u32 @!p0 $0x4000, s6;
	s5 =	simm.s32 @!p0 $0x1B8D  }
0xb1: {  	s4 =	sshll.u32 @!p0 s4, $0x11;
	s6 =	sadd.s32 @!p0 $0x11B8D, s6;
	_ =	swait.eq @!p0 [sflag:s5], $0x1  }
0xb2: {  	s4 =	sor.u32 @!p0 s4, s6;
	[sflag:s5] =	ssyncadd.s32 @!p0 $0xFFFFFFFF  }
0xb3: {  	s25 =	simm.s32 $0x1B8E;
	s24 =	sld [smem:$0x3FFE];
	[sflag:s4] =	ssyncadd.remote.s32 @!p0 $0x1  }
0xb4: {  	s26 =	simm.s32 $execute0_lowered;
	[smem:$0x3FD2] =	sst s25  }
0xb5: {  	s5 =	sshll.u32 s26, $0x1;
	_ =	strace $0x80000049;
	[dreg:$0x1] =	wrdreg $0xFFFFFFFF  }
0xb6: {  	s28 =	simm.s32 $_size_execute0_lowered;
	s3 =	sadd.s32 s3, s5;
	[dreg:$0x0] =	wrdreg $0x0  }
0xb7: {  	s5 =	sshll.u32 s28, $0x1;
	[dreg:$0x2] =	wrdreg s3  }
0xb8: {  	[dreg:$0x3] =	wrdreg s5  }
0xb9: {  	[dreg:$0x4] =	wrdreg $0xC0  }
0xba: {  	_ =	task [dreg:s22], $0x5FFFF  }
0xbb: {  	[dreg:$0x1] =	wrdreg $0xFFFFFFFF  }
0xbc: {  	[dreg:$0x0] =	wrdreg $0x60  }
0xbd: {  	[dreg:$0x2] =	wrdreg s24  }
0xbe: {  	[dreg:$0x3] =	wrdreg $0x68000  }
0xbf: {  	[dreg:$0x4] =	wrdreg $0xA  }
0xc0: {  	_ =	task.clear_ibuf [dreg:s22], $0x5FFFF;
	_ =	strace $0x90000049  }
0xc1: {  	s29 =	simm.s32 $0xA;
	_ =	strace $0x8000004B  }
0xc2: {  	_ =	swait.ge [sflag:s29], $0x1  }
0xc3: {  	[sflag:s29] =	ssyncadd.s32 $0xFFFFFFFF  }
0xc4: {  	_ =	strace $0x9000004B  }
0xc5: {  	_ =	sfence  }
0xc6: {  	s30 =	sld [smem:$0x0];
	_ =	sdelay $0x2  }
0xc7: {  	s31 =	sshll.u32 s1, $0xD;
	s1 =	sshrl.u32 s1, $0x2  }
0xc8: {  	s4 =	sand.u32 $0x4000, s31;
	s1 =	sadd.s32 s1, s30  }
0xc9: {  	s0 =	sor.u32 s4, s0;
	s1 =	sshll.u32 s1, $0x11  }
0xca: {  	s0 =	sor.u32 s1, s0  }
0xcb: {  	s0 =	sadd.s32 $0x8F2B, s0  }
0xcc: {  	[sflag:s0] =	ssyncadd.remote.s32 $0x1  }
0xcd: {  	_ =	sfence.sel $0xFFFF  }
0xce: {  	[dreg:$0x0] =	wrdreg $0xFFFFFFFF;
	(pc) =	sbr.abs _section_cstart, $3  }
0xcf: {  	[dreg:$0x1] =	wrdreg $0xFFFFFFFF  }
0xd0: {  	_ =	task.clear_ibuf [dreg:s22], $0x2FFFF;
	_ =	strace $0x9FFFFFFF  }
0xd1: {  	(tm) =	ssettm $0x7FFFFFFF  }
tec
execute0_lowered:
.L_overlay_start_1:
0x0: {  	(tag) =	ssettag $0x1  }
0x1: {  	s4 =	rddreg [dreg:$0x0]  }
0x2: {  	s1 =	rddreg [dreg:$0x1]  }
0x3: {  	s2 =	srdreg.scid;
	s0 =	rddreg [dreg:$0x2]  }
0x4: {  	s3 =	simm.s32 $0x0;
	s10 =	sand.u32 $0x1, s2;
	s2 =	stileid.u32  }
0x5: {  	s16 =	simm.s32 $0x1;
	[smem:$0x7FF] =	sst s3;
	s5 =	smul.u32 $0x140000, s10  }
0x6: {  	s17 =	simm.s32 $0x50;
	s6 =	smul.u32 $0x14000, s2;
	_ =	strace $0x8000004A  }
0x7: {  	s7 =	sshll.u32 s2, $0xB;
	s8 =	smul.u32 $0x50000, s2;
	s30 =	ssub.s32 $0x2, s10  }
0x8: {  	s15 =	sshll.u32 s10, $0xF;
	s18 =	sshll.u32 s2, $0x6;
	s12 =	sadd.s32 s7, s4  }
0x9: {  	s31 =	sshrl.u32 s30, $0x1;
	s18 =	sor.u32 $0x1C01, s18;
	s5 =	sadd.s32 s6, s5  }
0xa: {  	s8 =	sshrl.u32 s8, $0x2;
	s14 =	ssub.s32 s30, s31;
	s12 =	sadd.s32 s15, s12  }
0xb: {  	s15 =	simm.s32 $0x4000;
	s5 =	sshrl.u32 s5, $0x3;
	s12 =	sadd.s32 $0x1600, s12  }
0xc: {  	s14 =	smax.u32 s14, $0x1;
	s13 =	sadd.s32 s5, s4;
	s4 =	sadd.s32 s8, s1  }
0xd: {  	s5 =	sadd.s32 $0x2800, s4;
	s6 =	sadd.s32 $0x5000, s4;
	s7 =	sadd.s32 $0x7800, s4  }
0xe: {  	s8 =	sadd.s32 $0xA000, s4;
	s9 =	sadd.s32 $0xC800, s4;
	s10 =	sadd.s32 $0xF000, s4  }
0xf: {  	v0 =	vimm.f32 $0.0e+00;
	v1 =	vimm.f32 $1.000000000e+00;
	s11 =	sadd.s32 $0x11800, s4;
	s13 =	sadd.s32 $0x61600, s13;
	s19 =	sshrl.u32 s4, $0x3  }
.LBB2_1:
0x10: {  	s20 =	simm.s32 $0x0;
	s21 =	simm.s32 $0x200  }
.LBB2_2:
0x11: {  	p0 =	sne.s32 s21, $0x9E00;
	[tilespmem:s20+$0x4070] =	vst v0  }
0x12: {  	[tilespmem:s20+$0x4000] =	vst v0  }
0x13: {  	[tilespmem:s20+$0x4010] =	vst v0  }
.Ltmp0:
0x14: {  	[tilespmem:s20+$0x4020] =	vst v0;
	(pc) =	sbr.rel @p0 .LBB2_2-.Ltmp0, $4  }
0x15: {  	[tilespmem:s20+$0x4030] =	vst v0  }
0x16: {  	[tilespmem:s20+$0x4040] =	vst v0  }
0x17: {  	[tilespmem:s20+$0x4050] =	vst v0  }
0x18: {  	[tilespmem:s20+$0x4060] =	vst v0;
	s20 =	sshra.s32 s21, $0x2;
	s21 =	sadd.s32 $0x200, s21  }
0x19: {  	[tilespmem:s20+$0x4070] =	vst v0  }
0x1a: {  	[tilespmem:s20+$0x4000] =	vst v0  }
0x1b: {  	[tilespmem:s20+$0x4010] =	vst v0  }
0x1c: {  	[tilespmem:s20+$0x4020] =	vst v0  }
0x1d: {  	[tilespmem:s20+$0x4030] =	vst v0  }
0x1e: {  	[tilespmem:s20+$0x4040] =	vst v0  }
0x1f: {  	[tilespmem:s20+$0x4050] =	vst v0  }
0x20: {  	[tilespmem:s20+$0x4060] =	vst v0  }
0x21: {  	[spmem:s4] =	stream.linear.scatter [tilespmem:s15], [sflag:$0x1], $0x2800, $0x38;
	[tilespmem:$0x1A800] =	vst v63  }
0x22: {  	_ =	swait.ge [sflag:s16], $0x2800  }
0x23: {  	[sflag:s16] =	ssyncset.done $0x0  }
0x24: {  	[sflag:s16] =	ssyncadd.s32 $0xFFFFD800  }
0x25: {  	[spmem:s5] =	stream.linear.scatter [tilespmem:s15], [sflag:$0x1], $0x2800, $0x38;
	[tilespmem:$0x1A800] =	vst v63  }
0x26: {  	_ =	swait.ge [sflag:s16], $0x2800  }
0x27: {  	[sflag:s16] =	ssyncset.done $0x0  }
0x28: {  	[sflag:s16] =	ssyncadd.s32 $0xFFFFD800  }
0x29: {  	[spmem:s6] =	stream.linear.scatter [tilespmem:s15], [sflag:$0x1], $0x2800, $0x38;
	[tilespmem:$0x1A800] =	vst v63  }
0x2a: {  	_ =	swait.ge [sflag:s16], $0x2800  }
0x2b: {  	[sflag:s16] =	ssyncset.done $0x0  }
0x2c: {  	[sflag:s16] =	ssyncadd.s32 $0xFFFFD800  }
0x2d: {  	[spmem:s7] =	stream.linear.scatter [tilespmem:s15], [sflag:$0x1], $0x2800, $0x38;
	[tilespmem:$0x1A800] =	vst v63  }
0x2e: {  	_ =	swait.ge [sflag:s16], $0x2800  }
0x2f: {  	[sflag:s16] =	ssyncset.done $0x0  }
0x30: {  	[sflag:s16] =	ssyncadd.s32 $0xFFFFD800  }
0x31: {  	[spmem:s8] =	stream.linear.scatter [tilespmem:s15], [sflag:$0x1], $0x2800, $0x38;
	[tilespmem:$0x1A800] =	vst v63  }
0x32: {  	_ =	swait.ge [sflag:s16], $0x2800  }
0x33: {  	[sflag:s16] =	ssyncset.done $0x0  }
0x34: {  	[sflag:s16] =	ssyncadd.s32 $0xFFFFD800  }
0x35: {  	[spmem:s9] =	stream.linear.scatter [tilespmem:s15], [sflag:$0x1], $0x2800, $0x38;
	[tilespmem:$0x1A800] =	vst v63  }
0x36: {  	_ =	swait.ge [sflag:s16], $0x2800  }
0x37: {  	[sflag:s16] =	ssyncset.done $0x0  }
0x38: {  	[sflag:s16] =	ssyncadd.s32 $0xFFFFD800  }
0x39: {  	[spmem:s10] =	stream.linear.scatter [tilespmem:s15], [sflag:$0x1], $0x2800, $0x38;
	[tilespmem:$0x1A800] =	vst v63  }
0x3a: {  	_ =	swait.ge [sflag:s16], $0x2800  }
0x3b: {  	[sflag:s16] =	ssyncset.done $0x0  }
0x3c: {  	[sflag:s16] =	ssyncadd.s32 $0xFFFFD800  }
0x3d: {  	[spmem:s11] =	stream.linear.scatter [tilespmem:s15], [sflag:$0x1], $0x2800, $0x38;
	[tilespmem:$0x1A800] =	vst v63  }
0x3e: {  	_ =	swait.ge [sflag:s16], $0x2800  }
0x3f: {  	[sflag:s16] =	ssyncset.done $0x0  }
0x40: {  	s20 =	simm.s32 $0x0;
	s21 =	simm.s32 $0x200;
	[sflag:s16] =	ssyncadd.s32 $0xFFFFD800  }
.LBB2_4:
0x41: {  	p0 =	sne.s32 s21, $0x9E00;
	[tilespmem:s20+$0x4070] =	vst v1  }
0x42: {  	[tilespmem:s20+$0x4000] =	vst v1  }
0x43: {  	[tilespmem:s20+$0x4010] =	vst v1  }
.Ltmp1:
0x44: {  	[tilespmem:s20+$0x4020] =	vst v1;
	(pc) =	sbr.rel @p0 .LBB2_4-.Ltmp1, $4  }
0x45: {  	[tilespmem:s20+$0x4030] =	vst v1  }
0x46: {  	[tilespmem:s20+$0x4040] =	vst v1  }
0x47: {  	[tilespmem:s20+$0x4050] =	vst v1  }
0x48: {  	[tilespmem:s20+$0x4060] =	vst v1;
	s20 =	sshra.s32 s21, $0x2;
	s21 =	sadd.s32 $0x200, s21  }
0x49: {  	[tilespmem:s20+$0x4070] =	vst v1  }
0x4a: {  	[tilespmem:s20+$0x4000] =	vst v1  }
0x4b: {  	[tilespmem:s20+$0x4010] =	vst v1  }
0x4c: {  	[tilespmem:s20+$0x4020] =	vst v1  }
0x4d: {  	[tilespmem:s20+$0x4030] =	vst v1  }
0x4e: {  	[tilespmem:s20+$0x4040] =	vst v1  }
0x4f: {  	[tilespmem:s20+$0x4050] =	vst v1  }
0x50: {  	[tilespmem:s20+$0x4060] =	vst v1  }
0x51: {  	s30 =	simm.s32 $0x0;
	[bflag:$0x0] =	sbarrier.arrive $0xFFFF  }
0x52: {  	[tilespmem:s30], [sflag:$0x1] =	stream.linear.gather [hbm4b:s12+s30], $0x4000, $0x38;
	[tilespmem:$0x1A800] =	vst v63  }
0x53: {  	_ =	swait.ge [sflag:s16], $0x4000  }
0x54: {  	[sflag:s16] =	ssyncset.done $0x0  }
0x55: {  	s31 =	simm.s32 $0x0;
	[sflag:s16] =	ssyncadd.s32 $0xFFFFC000  }
0x56: {  	[spmem:s1] =	stream.indirect.scatter.add.f32 [tilespmem:s15], [sflag:$0x1], $0x80, s31, s17, $0xb8;
	[tilespmem:$0x1A800] =	vst v63  }
0x57: {  	_ =	swait.ge [sflag:s16], $0x2800  }
0x58: {  	s20 =	simm.s32 $0x200;
	[sflag:s16] =	ssyncset.done $0x0  }
.LBB2_6:
0x59: {  	s21 =	sshra.s32 s20, $0x2;
	[sflag:s16] =	ssyncadd.s32 $0xFFFFD800;
	p0 =	sne.s32 s20, $0xFE00  }
0x5a: {  	[spmem:s1] =	stream.indirect.scatter.add.f32 [tilespmem:s15], [sflag:$0x1], $0x80, s21, s17, $0xb8;
	[tilespmem:$0x1A800] =	vst v63  }
.Ltmp2:
0x5b: {  	_ = 	snop;
	(pc) =	sbr.rel @p0 .LBB2_6-.Ltmp2, $4  }
0x5c: {  	_ = 	snop  }
0x5d: {  	s20 =	sadd.s32 $0x200, s20  }
0x5e: {  	_ =	swait.ge [sflag:s16], $0x2800  }
0x5f: {  	[sflag:s16] =	ssyncset.done $0x0  }
0x60: {  	s3 =	sadd.s32 $0x1, s3  }
0x61: {  	[sflag:s16] =	ssyncadd.s32 $0xFFFFD800;
	p0 =	sne.s32 s3, s14  }
.Ltmp3:
0x62: {  	[bflag:$0x0] =	sbarrier.arrive $0xFFFF;
	(pc) =	sbr.rel @p0 .LBB2_1-.Ltmp3, $4  }
0x63: {  	[hbm:s13], [sflag:s18] =	dma.local [spmem:s19], $0x2800  }
0x64: {  	_ =	swait.ge [sflag:s16], $0x2800  }
0x65: {  	[sflag:s16] =	ssyncset.done $0x0  }
0x66: {  	[sflag:s16] =	ssyncadd.s32 $0xFFFFD800  }
0x67: {  	_ =	sfence.sel $0x180000  }
0x68: {  	[bflag:$0x0] =	sbarrier.arrive $0xFFFF  }
0x69: {  	p0 =	sne.s32 s2, $0x0;
	_ =	strace $0x9000004A  }
0x6a: {  	s0 =	sadd.s32 @!p0 $0x100000, s0;
	[bflag:$0x2] =	sbarrier.arrive $0xFFFF  }
0x6b: {  	[sflag:s0] =	ssyncadd.tile.s32 @!p0 $0x1;
	_ =	shalt  }
.Lfunc_end2:
_tile_overlayer_lowered:
.L_overlay_start_2:
0x6c: {  	(tag) =	ssettag $0x2  }
0x6d: {  	s0 =	rddreg [dreg:$0x0];
	s2 =	stileid.u32  }
0x6e: {  	s1 =	rddreg [dreg:$0x1];
	p0 =	sne.s32 s2, $0x0  }
0x6f: {  	s3 =	rddreg [dreg:$0x2];
	[bflag:$0x3] =	sbarrier.arrive $0xFFFF;
	s2 =	simm.s32 @!p0 $0x1C01  }
0x70: {  	[timem:s3], [sflag:s2] =	dma.local @!p0 [hbm:s0], s1  }
0x71: {  	s0 =	simm.s32 @!p0 $0x1  }
0x72: {  	_ =	swait.ge @!p0 [sflag:s0], s1  }
0x73: {  	s1 =	ssub.s32 @!p0 $0x0, s1;
	[sflag:s0] =	ssyncset.done @!p0 $0x0  }
0x74: {  	[sflag:s0] =	ssyncadd.s32 @!p0 s1  }
0x75: {  	[bflag:$0x3] =	sbarrier.arrive $0xFFFF  }
0x76: {  	_ =	shalt  }

</sc_bundles>
